<compile_context>
chip_gen: v7x
topology: tpu7x:2x2x1
jax: 0.10.2.dev20260603
libtpu: 0.0.44.dev20260713+nightly
codegen_flags: <defaults>
</compile_context>

<pallas_src>
import functools

import jax
import jax.numpy as jnp
import numpy as np
from jax import lax
from jax.experimental import pallas as pl
from jax.experimental.pallas import tpu as pltpu
from jax.experimental.pallas import tpu_sc as plsc

_N = 10000
_E = 320000
_D = 128
_H = 8
_NB = 4
_NA = 2
_G = 128
_NW = 32
_FPW = 2
_CH = 20000
_NCHUNK = _E // _CH
_STEPS = _CH // 16

_Pnp = np.zeros((8, 64, 128), np.float32)
_Qnp = np.zeros((8, 128, 128), np.float32)
for _m in range(8):
    for _h in range(8):
        _Pnp[_m, _h * 8 + _m, _h * 16:(_h + 1) * 16] = 1.0
        _Qnp[_m, 16 * _m:16 * _m + 16, _h * 16:(_h + 1) * 16] = np.eye(16, dtype=np.float32)


def _pre_body(x_ref, bw_ref, cw_ref, cb_ref, b_out, w_out):
    x = x_ref[...]
    b_out[...] = jnp.dot(x, bw_ref[...], preferred_element_type=jnp.float32)
    w_out[...] = jnp.dot(x, cw_ref[...], preferred_element_type=jnp.float32) + cb_ref[...]


def _pre(x, bases_w, comb_w, comb_b):
    return pl.pallas_call(
        _pre_body,
        out_shape=(
            jax.ShapeDtypeStruct((_N, _NB * 16), jnp.float32),
            jax.ShapeDtypeStruct((_N, _H * _NB * _NA), jnp.float32),
        ),
    )(x, bases_w, comb_w, comb_b.reshape(1, -1))


def _take(x, idx):
    return x.at[idx].get(mode="promise_in_bounds")


def _sc_agg(src, dst, bases_t):
    mesh = plsc.VectorSubcoreMesh(core_axis_name="c", subcore_axis_name="s")

    @functools.partial(
        pl.kernel,
        mesh=mesh,
        compiler_params=pltpu.CompilerParams(needs_layout_passes=False),
        out_type=(
            jax.ShapeDtypeStruct((_NW * _FPW, _N), jnp.float32),
            jax.ShapeDtypeStruct((_NW * _FPW, _N), jnp.float32),
        ),
        scratch_types=[
            pltpu.VMEM((_N,), jnp.float32),
            pltpu.VMEM((_N,), jnp.float32),
            pltpu.VMEM((_N,), jnp.float32),
            pltpu.VMEM((_N,), jnp.float32),
            pltpu.VMEM((_N,), jnp.float32),
            pltpu.VMEM((_N,), jnp.float32),
            pltpu.VMEM((_CH,), jnp.int32),
            pltpu.VMEM((_CH,), jnp.int32),
        ],
    )
    def body(src_h, dst_h, bt_h, osum_h, omax_h,
             bas0_v, bas1_v, asum0_v, asum1_v, amax0_v, amax1_v, src_v, dst_v):
        wid = lax.axis_index("s") * 2 + lax.axis_index("c")
        pltpu.sync_copy(bt_h.at[wid * 2], bas0_v)
        pltpu.sync_copy(bt_h.at[wid * 2 + 1], bas1_v)
        fsets = ((bas0_v, asum0_v, amax0_v), (bas1_v, asum1_v, amax1_v))

        def initf(j, carry):
            for _, asm, amx in fsets:
                asm[pl.ds(j * 16, 16)] = jnp.zeros((16,), jnp.float32)
                amx[pl.ds(j * 16, 16)] = jnp.full((16,), -jnp.inf, jnp.float32)
            return carry

        lax.fori_loop(0, _N // 16, initf, 0)
        lane = lax.iota(jnp.int32, 16)

        def chunkf(c, carry):
            pltpu.sync_copy(src_h.at[pl.ds(c * _CH, _CH)], src_v)
            pltpu.sync_copy(dst_h.at[pl.ds(c * _CH, _CH)], dst_v)

            def stepf(i, carry2):
                d = dst_v[pl.ds(i * 16, 16)]
                s = src_v[pl.ds(i * 16, 16)]
                dk, sv = plsc.sort_key_val(d, s)
                same = []
                for sh in (1, 2, 4, 8):
                    idxs = jnp.maximum(lane - sh, 0)
                    same.append((_take(dk, idxs) == dk) & (lane >= sh))
                is_end = (_take(dk, jnp.minimum(lane + 1, 15)) != dk) | (lane == 15)
                for bas, asm, amx in fsets:
                    val = plsc.load_gather(bas, [sv])
                    plsc.addupdate_scatter(asm, [dk], val)
                    cur = plsc.load_gather(amx, [dk])
                    vmax = val
                    for t, sh in enumerate((1, 2, 4, 8)):
                        idxs = jnp.maximum(lane - sh, 0)
                        vmax = jnp.where(same[t], jnp.maximum(vmax, _take(vmax, idxs)), vmax)
                    plsc.store_scatter(amx, [dk], jnp.maximum(cur, vmax), mask=is_end)
                return carry2

            lax.fori_loop(0, _STEPS, stepf, 0)
            return carry

        lax.fori_loop(0, _NCHUNK, chunkf, 0)
        pltpu.sync_copy(asum0_v, osum_h.at[wid * 2])
        pltpu.sync_copy(asum1_v, osum_h.at[wid * 2 + 1])
        pltpu.sync_copy(amax0_v, omax_h.at[wid * 2])
        pltpu.sync_copy(amax1_v, omax_h.at[wid * 2 + 1])

    return body(src, dst, bases_t)


def _post_body(sum_ref, max_ref, bas_ref, wgt_ref, batch_ref, p_ref, q_ref,
               cb_ref, gw_ref, gb_ref, gms_ref, out_ref):
    bases = bas_ref[...]
    agg_sum = sum_ref[...] + bases
    agg_max = jnp.maximum(max_ref[...], bases)
    cat = jnp.concatenate([agg_sum, agg_max], axis=1)
    wgt = wgt_ref[...]
    h = jnp.broadcast_to(cb_ref[...], (_N, _D))
    for m in range(8):
        h = h + jnp.dot(wgt, p_ref[m], preferred_element_type=jnp.float32) * \
            jnp.dot(cat, q_ref[m], preferred_element_type=jnp.float32)

    oh = (batch_ref[...] == lax.broadcasted_iota(jnp.int32, (_N, _G), 1)
          ).astype(jnp.float32)
    dn = (((0,), (0,)), ((), ()))
    cnt = lax.dot_general(oh, jnp.ones((_N, 1), jnp.float32), dn,
                          preferred_element_type=jnp.float32)
    cnt = jnp.maximum(cnt, 1.0)
    mean = lax.dot_general(oh, h, dn, preferred_element_type=jnp.float32) / cnt
    out = h - jnp.dot(oh, mean, preferred_element_type=jnp.float32) * gms_ref[...]
    var = lax.dot_general(oh, out * out, dn, preferred_element_type=jnp.float32) / cnt
    std = jnp.sqrt(var + 1e-5)
    stdb = jnp.dot(oh, std, preferred_element_type=jnp.float32)
    out_ref[...] = jnp.maximum(gw_ref[...] * out / stdb + gb_ref[...], 0.0)


def _post(agg_sum, agg_max, bases, weightings, batch2d, conv_b, gn_w, gn_b, gn_ms):
    return pl.pallas_call(
        _post_body,
        out_shape=jax.ShapeDtypeStruct((_N, _D), jnp.float32),
    )(agg_sum, agg_max, bases, weightings, batch2d,
      jnp.asarray(_Pnp), jnp.asarray(_Qnp),
      conv_b.reshape(1, -1), gn_w.reshape(1, -1), gn_b.reshape(1, -1),
      gn_ms.reshape(1, -1))


def kernel(node, edge_index, edge_attr, batch_ptr, bases_w, comb_w, comb_b,
           conv_b, gn_w, gn_b, gn_ms):
    del edge_attr
    bases, weightings = _pre(node, bases_w, comb_w, comb_b)
    s_sum, s_max = _sc_agg(edge_index[0], edge_index[1], bases.T)
    return _post(s_sum.T, s_max.T, bases, weightings,
                 batch_ptr.reshape(_N, 1).astype(jnp.int32),
                 conv_b, gn_w, gn_b, gn_ms)

# --- scband reference (transcript-rebuilt; emitter-appended) ---
"""Pipeline reference for scband-egconv-layer-72258529788101 (READ-ONLY COPY).

The authoritative reference and input builder live on the scoring server;
editing this copy changes nothing except your own understanding.
"""

import jax, jax.numpy as jnp
import numpy as np

N = 10000
E = 320000
D = 128
H = 8
NB = 4
NA = 2
G = 128

def setup_inputs(seed: int = 0):
    key = jax.random.key(seed)
    ks = jax.random.split(key, 10)
    node = jax.random.normal(ks[0], (N, D), dtype=jnp.float32)
    edge_index = jax.random.randint(ks[1], (2, E), 0, N, dtype=jnp.int32)
    edge_attr = jax.random.normal(ks[2], (E, 16), dtype=jnp.float32)
    batch_ptr = jnp.sort(jax.random.randint(ks[3], (N,), 0, G, dtype=jnp.int32))
    bases_w = jax.random.normal(ks[4], (D, NB * (D // H)), dtype=jnp.float32) * 0.05
    comb_w = jax.random.normal(ks[5], (D, H * NB * NA), dtype=jnp.float32) * 0.05
    comb_b = jnp.zeros((H * NB * NA,), dtype=jnp.float32)
    conv_b = jnp.zeros((D,), dtype=jnp.float32)
    gn_w = jnp.ones((D,), dtype=jnp.float32)
    gn_b = jnp.zeros((D,), dtype=jnp.float32)
    gn_ms = jnp.ones((D,), dtype=jnp.float32)
    return {"node": node, "edge_index": edge_index, "edge_attr": edge_attr, "batch_ptr": batch_ptr, "bases_w": bases_w, "comb_w": comb_w, "comb_b": comb_b, "conv_b": conv_b, "gn_w": gn_w, "gn_b": gn_b, "gn_ms": gn_ms}

def _egconv(x, edge_index, bases_w, comb_w, comb_b, conv_b):
    n = x.shape[0]
    loops = jnp.arange(n, dtype=edge_index.dtype)
    src = jnp.concatenate([edge_index[0], loops])
    dst = jnp.concatenate([edge_index[1], loops])
    bases = x @ bases_w
    weightings = x @ comb_w + comb_b
    msgs = bases[src]
    agg_sum = jax.ops.segment_sum(msgs, dst, num_segments=n)
    agg_max = jax.ops.segment_max(msgs, dst, num_segments=n)
    basis_outs = jnp.stack([agg_sum, agg_max], axis=1)
    basis_outs = basis_outs.reshape(n, NA * NB, D // H)
    w = weightings.reshape(n, H, NB * NA)
    out = jnp.matmul(w, basis_outs)
    out = out.reshape(n, D) + conv_b
    return out

def _graph_norm(x, batch, gn_w, gn_b, gn_ms):
    n = x.shape[0]
    counts = jnp.clip(jax.ops.segment_sum(jnp.ones((n,), dtype=x.dtype), batch, num_segments=G), 1.0)
    mean = jax.ops.segment_sum(x, batch, num_segments=G) / counts[:, None]
    out = x - mean[batch] * gn_ms
    var = jax.ops.segment_sum(out * out, batch, num_segments=G) / counts[:, None]
    std = jnp.sqrt(var + 1e-5)[batch]
    return gn_w * out / std + gn_b

def reference(node, edge_index, edge_attr, batch_ptr, bases_w, comb_w, comb_b, conv_b, gn_w, gn_b, gn_ms):
    h = _egconv(node, edge_index, bases_w, comb_w, comb_b, conv_b)
    h = _graph_norm(h, batch_ptr, gn_w, gn_b, gn_ms)
    return jax.nn.relu(h)

if __name__ == "__main__":
    import jax
    _d = setup_inputs()
    print(jax.jit(kernel)(*tuple(_d.values())))

</pallas_src>

<mosaic_0001>
#map = affine_map<(d0, d1) -> (0)>
#map1 = affine_map<(d0, d1) -> (0, 0)>
module attributes {stable_mosaic.version = 14 : i64} {
  func.func @body(%arg0: i32, %arg1: i32, %arg2: memref<320000xi32, #tpu.memory_space<hbm>>, %arg3: memref<320000xi32, #tpu.memory_space<hbm>>, %arg4: memref<64x10000xf32, #tpu.memory_space<hbm>>, %arg5: memref<64x10000xf32, #tpu.memory_space<hbm>>, %arg6: memref<64x10000xf32, #tpu.memory_space<hbm>>, %arg7: memref<10000xf32, #tpu.memory_space<vmem>>, %arg8: memref<10000xf32, #tpu.memory_space<vmem>>, %arg9: memref<10000xf32, #tpu.memory_space<vmem>>, %arg10: memref<10000xf32, #tpu.memory_space<vmem>>, %arg11: memref<10000xf32, #tpu.memory_space<vmem>>, %arg12: memref<10000xf32, #tpu.memory_space<vmem>>, %arg13: memref<20000xi32, #tpu.memory_space<vmem>>, %arg14: memref<20000xi32, #tpu.memory_space<vmem>>) attributes {dimension_semantics = [#tpu.dimension_semantics<core_parallel>, #tpu.dimension_semantics<subcore_parallel>], iteration_bounds = array<i64: 2, 16>, scalar_prefetch = 0 : i64, scratch_operands = 8 : i64, tpu.core_type = #tpu.core_type<sc_vector_subcore>, window_params = [{transform_indices = #map}, {transform_indices = #map}, {transform_indices = #map1}, {transform_indices = #map1}, {transform_indices = #map1}]} {
    %mul3A = arith.constant 2 : i32
    %mul3A_0 = arith.muli %arg1, %mul3A : i32
    %add3A = arith.addi %mul3A_0, %arg0 : i32
    %mul3A_1 = arith.constant 2 : i32
    %mul3A_2 = arith.muli %add3A, %mul3A_1 : i32
    "tpu.region"() ({
      %run_scoped3A = tpu.sem_alloc : memref<!tpu.dma_semaphore, #tpu.memory_space<semaphore_mem>>
      %dma_start3A = arith.constant 0 : i32
      %dma_start3A_30 = tpu.memref_slice %arg4[%mul3A_2, %dma_start3A] : memref<64x10000xf32, #tpu.memory_space<hbm>> -> memref<1x10000xf32, #tpu.memory_space<hbm>>
      %dma_start3A_31 = tpu.memref_squeeze %dma_start3A_30 : memref<1x10000xf32, #tpu.memory_space<hbm>> -> memref<10000xf32, #tpu.memory_space<hbm>>
      %dma_start3A_32 = arith.constant 0 : i32
      %dma_start3A_33 = tpu.memref_slice %arg4[%mul3A_2, %dma_start3A_32] : memref<64x10000xf32, #tpu.memory_space<hbm>> -> memref<1x10000xf32, #tpu.memory_space<hbm>>
      %dma_start3A_34 = tpu.memref_squeeze %dma_start3A_33 : memref<1x10000xf32, #tpu.memory_space<hbm>> -> memref<10000xf32, #tpu.memory_space<hbm>>
      tpu.enqueue_dma source(%dma_start3A_34 : memref<10000xf32, #tpu.memory_space<hbm>>) target(%arg7 : memref<10000xf32, #tpu.memory_space<vmem>>) target_semaphore(%run_scoped3A : memref<!tpu.dma_semaphore, #tpu.memory_space<semaphore_mem>>)
      %dma_wait3A = arith.constant 0 : i32
      %dma_wait3A_35 = tpu.memref_slice %arg4[%mul3A_2, %dma_wait3A] : memref<64x10000xf32, #tpu.memory_space<hbm>> -> memref<1x10000xf32, #tpu.memory_space<hbm>>
      %dma_wait3A_36 = tpu.memref_squeeze %dma_wait3A_35 : memref<1x10000xf32, #tpu.memory_space<hbm>> -> memref<10000xf32, #tpu.memory_space<hbm>>
      %dma_wait3A_37 = arith.constant 0 : i32
      %dma_wait3A_38 = tpu.memref_slice %arg4[%mul3A_2, %dma_wait3A_37] : memref<64x10000xf32, #tpu.memory_space<hbm>> -> memref<1x10000xf32, #tpu.memory_space<hbm>>
      %dma_wait3A_39 = tpu.memref_squeeze %dma_wait3A_38 : memref<1x10000xf32, #tpu.memory_space<hbm>> -> memref<10000xf32, #tpu.memory_space<hbm>>
      tpu.wait_dma2 semaphore(%run_scoped3A : memref<!tpu.dma_semaphore, #tpu.memory_space<semaphore_mem>>) src(%dma_wait3A_39 : memref<10000xf32, #tpu.memory_space<hbm>>) dst(%arg7 : memref<10000xf32, #tpu.memory_space<vmem>>)
      tpu.yield
    }) : () -> ()
    %mul3A_3 = arith.constant 2 : i32
    %mul3A_4 = arith.muli %add3A, %mul3A_3 : i32
    %add3A_5 = arith.constant 1 : i32
    %add3A_6 = arith.addi %mul3A_4, %add3A_5 : i32
    "tpu.region"() ({
      %run_scoped3A = tpu.sem_alloc : memref<!tpu.dma_semaphore, #tpu.memory_space<semaphore_mem>>
      %dma_start3A = arith.constant 0 : i32
      %dma_start3A_30 = tpu.memref_slice %arg4[%add3A_6, %dma_start3A] : memref<64x10000xf32, #tpu.memory_space<hbm>> -> memref<1x10000xf32, #tpu.memory_space<hbm>>
      %dma_start3A_31 = tpu.memref_squeeze %dma_start3A_30 : memref<1x10000xf32, #tpu.memory_space<hbm>> -> memref<10000xf32, #tpu.memory_space<hbm>>
      %dma_start3A_32 = arith.constant 0 : i32
      %dma_start3A_33 = tpu.memref_slice %arg4[%add3A_6, %dma_start3A_32] : memref<64x10000xf32, #tpu.memory_space<hbm>> -> memref<1x10000xf32, #tpu.memory_space<hbm>>
      %dma_start3A_34 = tpu.memref_squeeze %dma_start3A_33 : memref<1x10000xf32, #tpu.memory_space<hbm>> -> memref<10000xf32, #tpu.memory_space<hbm>>
      tpu.enqueue_dma source(%dma_start3A_34 : memref<10000xf32, #tpu.memory_space<hbm>>) target(%arg8 : memref<10000xf32, #tpu.memory_space<vmem>>) target_semaphore(%run_scoped3A : memref<!tpu.dma_semaphore, #tpu.memory_space<semaphore_mem>>)
      %dma_wait3A = arith.constant 0 : i32
      %dma_wait3A_35 = tpu.memref_slice %arg4[%add3A_6, %dma_wait3A] : memref<64x10000xf32, #tpu.memory_space<hbm>> -> memref<1x10000xf32, #tpu.memory_space<hbm>>
      %dma_wait3A_36 = tpu.memref_squeeze %dma_wait3A_35 : memref<1x10000xf32, #tpu.memory_space<hbm>> -> memref<10000xf32, #tpu.memory_space<hbm>>
      %dma_wait3A_37 = arith.constant 0 : i32
      %dma_wait3A_38 = tpu.memref_slice %arg4[%add3A_6, %dma_wait3A_37] : memref<64x10000xf32, #tpu.memory_space<hbm>> -> memref<1x10000xf32, #tpu.memory_space<hbm>>
      %dma_wait3A_39 = tpu.memref_squeeze %dma_wait3A_38 : memref<1x10000xf32, #tpu.memory_space<hbm>> -> memref<10000xf32, #tpu.memory_space<hbm>>
      tpu.wait_dma2 semaphore(%run_scoped3A : memref<!tpu.dma_semaphore, #tpu.memory_space<semaphore_mem>>) src(%dma_wait3A_39 : memref<10000xf32, #tpu.memory_space<hbm>>) dst(%arg8 : memref<10000xf32, #tpu.memory_space<vmem>>)
      tpu.yield
    }) : () -> ()
    %scan3A = arith.constant 0 : i32
    %scan3A_7 = arith.constant 0 : i32
    %scan3A_8 = arith.constant 625 : i32
    %scan3A_9 = arith.addi %scan3A_7, %scan3A_8 : i32
    %scan3A_10 = arith.constant 1 : i32
    scf.for %scan3A_30 = %scan3A_7 to %scan3A_9 step %scan3A_10  : i32 {
      %broadcast_in_dim3A = arith.constant 0.000000e+00 : f32
      %broadcast_in_dim3A_31 = vector.broadcast %broadcast_in_dim3A : f32 to vector<16xf32>
      %mul3A_32 = arith.constant 16 : i32
      %mul3A_33 = arith.muli %scan3A_30, %mul3A_32 : i32
      %swap3A = arith.index_cast %mul3A_33 : i32 to index
      %swap3A_34 = tpu.vector_load %arg9[%swap3A] {strides = array<i32>} : memref<10000xf32, #tpu.memory_space<vmem>>, vector<16xf32>,
      tpu.vector_store %arg9[%swap3A], %broadcast_in_dim3A_31 {strides = array<i32>} : memref<10000xf32, #tpu.memory_space<vmem>>, vector<16xf32>,
      %broadcast_in_dim3A_35 = arith.constant 0xFF800000 : f32
      %broadcast_in_dim3A_36 = vector.broadcast %broadcast_in_dim3A_35 : f32 to vector<16xf32>
      %mul3A_37 = arith.constant 16 : i32
      %mul3A_38 = arith.muli %scan3A_30, %mul3A_37 : i32
      %swap3A_39 = arith.index_cast %mul3A_38 : i32 to index
      %swap3A_40 = tpu.vector_load %arg11[%swap3A_39] {strides = array<i32>} : memref<10000xf32, #tpu.memory_space<vmem>>, vector<16xf32>,
      tpu.vector_store %arg11[%swap3A_39], %broadcast_in_dim3A_36 {strides = array<i32>} : memref<10000xf32, #tpu.memory_space<vmem>>, vector<16xf32>,
      %broadcast_in_dim3A_41 = arith.constant 0.000000e+00 : f32
      %broadcast_in_dim3A_42 = vector.broadcast %broadcast_in_dim3A_41 : f32 to vector<16xf32>
      %mul3A_43 = arith.constant 16 : i32
      %mul3A_44 = arith.muli %scan3A_30, %mul3A_43 : i32
      %swap3A_45 = arith.index_cast %mul3A_44 : i32 to index
      %swap3A_46 = tpu.vector_load %arg10[%swap3A_45] {strides = array<i32>} : memref<10000xf32, #tpu.memory_space<vmem>>, vector<16xf32>,
      tpu.vector_store %arg10[%swap3A_45], %broadcast_in_dim3A_42 {strides = array<i32>} : memref<10000xf32, #tpu.memory_space<vmem>>, vector<16xf32>,
      %broadcast_in_dim3A_47 = arith.constant 0xFF800000 : f32
      %broadcast_in_dim3A_48 = vector.broadcast %broadcast_in_dim3A_47 : f32 to vector<16xf32>
      %mul3A_49 = arith.constant 16 : i32
      %mul3A_50 = arith.muli %scan3A_30, %mul3A_49 : i32
      %swap3A_51 = arith.index_cast %mul3A_50 : i32 to index
      %swap3A_52 = tpu.vector_load %arg12[%swap3A_51] {strides = array<i32>} : memref<10000xf32, #tpu.memory_space<vmem>>, vector<16xf32>,
      tpu.vector_store %arg12[%swap3A_51], %broadcast_in_dim3A_48 {strides = array<i32>} : memref<10000xf32, #tpu.memory_space<vmem>>, vector<16xf32>,
    }
    %scan3A_11 = arith.constant 625 : i32
    %iota3A = tpu.iota {dimensions = array<i32: 0>} : vector<16xi32>
    %scan3A_12 = arith.constant 0 : i32
    %scan3A_13 = arith.constant 0 : i32
    %scan3A_14 = arith.constant 16 : i32
    %scan3A_15 = arith.addi %scan3A_13, %scan3A_14 : i32
    %scan3A_16 = arith.constant 1 : i32
    scf.for %scan3A_30 = %scan3A_13 to %scan3A_15 step %scan3A_16  : i32 {
      %mul3A_31 = arith.constant 20000 : i32
      %mul3A_32 = arith.muli %scan3A_30, %mul3A_31 : i32
      "tpu.region"() ({
        %run_scoped3A = tpu.sem_alloc : memref<!tpu.dma_semaphore, #tpu.memory_space<semaphore_mem>>
        %dma_start3A = tpu.memref_slice %arg2[%mul3A_32] : memref<320000xi32, #tpu.memory_space<hbm>> -> memref<20000xi32, #tpu.memory_space<hbm>>
        %dma_start3A_41 = tpu.memref_slice %arg2[%mul3A_32] : memref<320000xi32, #tpu.memory_space<hbm>> -> memref<20000xi32, #tpu.memory_space<hbm>>
        tpu.enqueue_dma source(%dma_start3A_41 : memref<20000xi32, #tpu.memory_space<hbm>>) target(%arg13 : memref<20000xi32, #tpu.memory_space<vmem>>) target_semaphore(%run_scoped3A : memref<!tpu.dma_semaphore, #tpu.memory_space<semaphore_mem>>)
        %dma_wait3A = tpu.memref_slice %arg2[%mul3A_32] : memref<320000xi32, #tpu.memory_space<hbm>> -> memref<20000xi32, #tpu.memory_space<hbm>>
        %dma_wait3A_42 = tpu.memref_slice %arg2[%mul3A_32] : memref<320000xi32, #tpu.memory_space<hbm>> -> memref<20000xi32, #tpu.memory_space<hbm>>
        tpu.wait_dma2 semaphore(%run_scoped3A : memref<!tpu.dma_semaphore, #tpu.memory_space<semaphore_mem>>) src(%dma_wait3A_42 : memref<20000xi32, #tpu.memory_space<hbm>>) dst(%arg13 : memref<20000xi32, #tpu.memory_space<vmem>>)
        tpu.yield
      }) : () -> ()
      %mul3A_33 = arith.constant 20000 : i32
      %mul3A_34 = arith.muli %scan3A_30, %mul3A_33 : i32
      "tpu.region"() ({
        %run_scoped3A = tpu.sem_alloc : memref<!tpu.dma_semaphore, #tpu.memory_space<semaphore_mem>>
        %dma_start3A = tpu.memref_slice %arg3[%mul3A_34] : memref<320000xi32, #tpu.memory_space<hbm>> -> memref<20000xi32, #tpu.memory_space<hbm>>
        %dma_start3A_41 = tpu.memref_slice %arg3[%mul3A_34] : memref<320000xi32, #tpu.memory_space<hbm>> -> memref<20000xi32, #tpu.memory_space<hbm>>
        tpu.enqueue_dma source(%dma_start3A_41 : memref<20000xi32, #tpu.memory_space<hbm>>) target(%arg14 : memref<20000xi32, #tpu.memory_space<vmem>>) target_semaphore(%run_scoped3A : memref<!tpu.dma_semaphore, #tpu.memory_space<semaphore_mem>>)
        %dma_wait3A = tpu.memref_slice %arg3[%mul3A_34] : memref<320000xi32, #tpu.memory_space<hbm>> -> memref<20000xi32, #tpu.memory_space<hbm>>
        %dma_wait3A_42 = tpu.memref_slice %arg3[%mul3A_34] : memref<320000xi32, #tpu.memory_space<hbm>> -> memref<20000xi32, #tpu.memory_space<hbm>>
        tpu.wait_dma2 semaphore(%run_scoped3A : memref<!tpu.dma_semaphore, #tpu.memory_space<semaphore_mem>>) src(%dma_wait3A_42 : memref<20000xi32, #tpu.memory_space<hbm>>) dst(%arg14 : memref<20000xi32, #tpu.memory_space<vmem>>)
        tpu.yield
      }) : () -> ()
      %scan3A_35 = arith.constant 0 : i32
      %scan3A_36 = arith.constant 0 : i32
      %scan3A_37 = arith.constant 1250 : i32
      %scan3A_38 = arith.addi %scan3A_36, %scan3A_37 : i32
      %scan3A_39 = arith.constant 1 : i32
      scf.for %scan3A_41 = %scan3A_36 to %scan3A_38 step %scan3A_39  : i32 {
        %mul3A_42 = arith.constant 16 : i32
        %mul3A_43 = arith.muli %scan3A_41, %mul3A_42 : i32
        %get3A = arith.index_cast %mul3A_43 : i32 to index
        %get3A_44 = tpu.vector_load %arg14[%get3A] {strides = array<i32>} : memref<20000xi32, #tpu.memory_space<vmem>>, vector<16xi32>,
        %mul3A_45 = arith.constant 16 : i32
        %mul3A_46 = arith.muli %scan3A_41, %mul3A_45 : i32
        %get3A_47 = arith.index_cast %mul3A_46 : i32 to index
        %get3A_48 = tpu.vector_load %arg13[%get3A_47] {strides = array<i32>} : memref<20000xi32, #tpu.memory_space<vmem>>, vector<16xi32>,
        %masked_sort3A = arith.constant dense<true> : vector<16xi1>
        %masked_sort3A_49 = arith.constant -2147483648 : i32
        %masked_sort3A_50 = vector.broadcast %masked_sort3A_49 : i32 to vector<16xi32>
        %masked_sort3A_51 = arith.xori %get3A_44, %masked_sort3A_50 : vector<16xi32>
        %masked_sort3A_52, %masked_sort3A_53, %masked_sort3A_54 = tpu.sort %masked_sort3A_51, %get3A_48 masked %masked_sort3A : (vector<16xi32>, vector<16xi32>, vector<16xi1>) -> (vector<16xi1>, vector<16xi32>, vector<16xi32>)
        %masked_sort3A_55 = arith.xori %masked_sort3A_53, %masked_sort3A_50 : vector<16xi32>
        %sub3A = arith.constant 1 : i32
        %sub3A_56 = vector.broadcast %sub3A : i32 to vector<16xi32>
        %sub3A_57 = arith.subi %iota3A, %sub3A_56 : vector<16xi32>
        %max3A = arith.constant 0 : i32
        %max3A_58 = vector.broadcast %max3A : i32 to vector<16xi32>
        %max3A_59 = arith.maxsi %sub3A_57, %max3A_58 : vector<16xi32>
        %lt3A = arith.constant 0 : i32
        %lt3A_60 = vector.broadcast %lt3A : i32 to vector<16xi32>
        %lt3A_61 = arith.cmpi slt, %max3A_59, %lt3A_60 : vector<16xi32>
        %add3A_62 = arith.constant 16 : i32
        %add3A_63 = vector.broadcast %add3A_62 : i32 to vector<16xi32>
        %add3A_64 = arith.addi %max3A_59, %add3A_63 : vector<16xi32>
        %select_n3A = arith.select %lt3A_61, %add3A_64, %max3A_59 : vector<16xi1>, vector<16xi32>
        %broadcast_in_dim3A = vector.shape_cast %select_n3A : vector<16xi32> to vector<16x1xi32>
        %gather3A = vector.shape_cast %broadcast_in_dim3A : vector<16x1xi32> to vector<16xi32>
        %gather3A_65 = tpu.dynamic_gather %masked_sort3A_55[%gather3A] in [0] : vector<16xi32>, vector<16xi32> -> vector<16xi32>
        %eq3A = arith.cmpi eq, %gather3A_65, %masked_sort3A_55 : vector<16xi32>
        %ge3A = arith.constant 1 : i32
        %ge3A_66 = vector.broadcast %ge3A : i32 to vector<16xi32>
        %ge3A_67 = arith.cmpi sge, %iota3A, %ge3A_66 : vector<16xi32>
        %and3A = arith.andi %eq3A, %ge3A_67 : vector<16xi1>
        %sub3A_68 = arith.constant 2 : i32
        %sub3A_69 = vector.broadcast %sub3A_68 : i32 to vector<16xi32>
        %sub3A_70 = arith.subi %iota3A, %sub3A_69 : vector<16xi32>
        %max3A_71 = arith.constant 0 : i32
        %max3A_72 = vector.broadcast %max3A_71 : i32 to vector<16xi32>
        %max3A_73 = arith.maxsi %sub3A_70, %max3A_72 : vector<16xi32>
        %lt3A_74 = arith.constant 0 : i32
        %lt3A_75 = vector.broadcast %lt3A_74 : i32 to vector<16xi32>
        %lt3A_76 = arith.cmpi slt, %max3A_73, %lt3A_75 : vector<16xi32>
        %add3A_77 = arith.constant 16 : i32
        %add3A_78 = vector.broadcast %add3A_77 : i32 to vector<16xi32>
        %add3A_79 = arith.addi %max3A_73, %add3A_78 : vector<16xi32>
        %select_n3A_80 = arith.select %lt3A_76, %add3A_79, %max3A_73 : vector<16xi1>, vector<16xi32>
        %broadcast_in_dim3A_81 = vector.shape_cast %select_n3A_80 : vector<16xi32> to vector<16x1xi32>
        %gather3A_82 = vector.shape_cast %broadcast_in_dim3A_81 : vector<16x1xi32> to vector<16xi32>
        %gather3A_83 = tpu.dynamic_gather %masked_sort3A_55[%gather3A_82] in [0] : vector<16xi32>, vector<16xi32> -> vector<16xi32>
        %eq3A_84 = arith.cmpi eq, %gather3A_83, %masked_sort3A_55 : vector<16xi32>
        %ge3A_85 = arith.constant 2 : i32
        %ge3A_86 = vector.broadcast %ge3A_85 : i32 to vector<16xi32>
        %ge3A_87 = arith.cmpi sge, %iota3A, %ge3A_86 : vector<16xi32>
        %and3A_88 = arith.andi %eq3A_84, %ge3A_87 : vector<16xi1>
        %sub3A_89 = arith.constant 4 : i32
        %sub3A_90 = vector.broadcast %sub3A_89 : i32 to vector<16xi32>
        %sub3A_91 = arith.subi %iota3A, %sub3A_90 : vector<16xi32>
        %max3A_92 = arith.constant 0 : i32
        %max3A_93 = vector.broadcast %max3A_92 : i32 to vector<16xi32>
        %max3A_94 = arith.maxsi %sub3A_91, %max3A_93 : vector<16xi32>
        %lt3A_95 = arith.constant 0 : i32
        %lt3A_96 = vector.broadcast %lt3A_95 : i32 to vector<16xi32>
        %lt3A_97 = arith.cmpi slt, %max3A_94, %lt3A_96 : vector<16xi32>
        %add3A_98 = arith.constant 16 : i32
        %add3A_99 = vector.broadcast %add3A_98 : i32 to vector<16xi32>
        %add3A_100 = arith.addi %max3A_94, %add3A_99 : vector<16xi32>
        %select_n3A_101 = arith.select %lt3A_97, %add3A_100, %max3A_94 : vector<16xi1>, vector<16xi32>
        %broadcast_in_dim3A_102 = vector.shape_cast %select_n3A_101 : vector<16xi32> to vector<16x1xi32>
        %gather3A_103 = vector.shape_cast %broadcast_in_dim3A_102 : vector<16x1xi32> to vector<16xi32>
        %gather3A_104 = tpu.dynamic_gather %masked_sort3A_55[%gather3A_103] in [0] : vector<16xi32>, vector<16xi32> -> vector<16xi32>
        %eq3A_105 = arith.cmpi eq, %gather3A_104, %masked_sort3A_55 : vector<16xi32>
        %ge3A_106 = arith.constant 4 : i32
        %ge3A_107 = vector.broadcast %ge3A_106 : i32 to vector<16xi32>
        %ge3A_108 = arith.cmpi sge, %iota3A, %ge3A_107 : vector<16xi32>
        %and3A_109 = arith.andi %eq3A_105, %ge3A_108 : vector<16xi1>
        %sub3A_110 = arith.constant 8 : i32
        %sub3A_111 = vector.broadcast %sub3A_110 : i32 to vector<16xi32>
        %sub3A_112 = arith.subi %iota3A, %sub3A_111 : vector<16xi32>
        %max3A_113 = arith.constant 0 : i32
        %max3A_114 = vector.broadcast %max3A_113 : i32 to vector<16xi32>
        %max3A_115 = arith.maxsi %sub3A_112, %max3A_114 : vector<16xi32>
        %lt3A_116 = arith.constant 0 : i32
        %lt3A_117 = vector.broadcast %lt3A_116 : i32 to vector<16xi32>
        %lt3A_118 = arith.cmpi slt, %max3A_115, %lt3A_117 : vector<16xi32>
        %add3A_119 = arith.constant 16 : i32
        %add3A_120 = vector.broadcast %add3A_119 : i32 to vector<16xi32>
        %add3A_121 = arith.addi %max3A_115, %add3A_120 : vector<16xi32>
        %select_n3A_122 = arith.select %lt3A_118, %add3A_121, %max3A_115 : vector<16xi1>, vector<16xi32>
        %broadcast_in_dim3A_123 = vector.shape_cast %select_n3A_122 : vector<16xi32> to vector<16x1xi32>
        %gather3A_124 = vector.shape_cast %broadcast_in_dim3A_123 : vector<16x1xi32> to vector<16xi32>
        %gather3A_125 = tpu.dynamic_gather %masked_sort3A_55[%gather3A_124] in [0] : vector<16xi32>, vector<16xi32> -> vector<16xi32>
        %eq3A_126 = arith.cmpi eq, %gather3A_125, %masked_sort3A_55 : vector<16xi32>
        %ge3A_127 = arith.constant 8 : i32
        %ge3A_128 = vector.broadcast %ge3A_127 : i32 to vector<16xi32>
        %ge3A_129 = arith.cmpi sge, %iota3A, %ge3A_128 : vector<16xi32>
        %and3A_130 = arith.andi %eq3A_126, %ge3A_129 : vector<16xi1>
        %add3A_131 = arith.constant 1 : i32
        %add3A_132 = vector.broadcast %add3A_131 : i32 to vector<16xi32>
        %add3A_133 = arith.addi %iota3A, %add3A_132 : vector<16xi32>
        %min3A = arith.constant 15 : i32
        %min3A_134 = vector.broadcast %min3A : i32 to vector<16xi32>
        %min3A_135 = arith.minsi %add3A_133, %min3A_134 : vector<16xi32>
        %lt3A_136 = arith.constant 0 : i32
        %lt3A_137 = vector.broadcast %lt3A_136 : i32 to vector<16xi32>
        %lt3A_138 = arith.cmpi slt, %min3A_135, %lt3A_137 : vector<16xi32>
        %add3A_139 = arith.constant 16 : i32
        %add3A_140 = vector.broadcast %add3A_139 : i32 to vector<16xi32>
        %add3A_141 = arith.addi %min3A_135, %add3A_140 : vector<16xi32>
        %select_n3A_142 = arith.select %lt3A_138, %add3A_141, %min3A_135 : vector<16xi1>, vector<16xi32>
        %broadcast_in_dim3A_143 = vector.shape_cast %select_n3A_142 : vector<16xi32> to vector<16x1xi32>
        %gather3A_144 = vector.shape_cast %broadcast_in_dim3A_143 : vector<16x1xi32> to vector<16xi32>
        %gather3A_145 = tpu.dynamic_gather %masked_sort3A_55[%gather3A_144] in [0] : vector<16xi32>, vector<16xi32> -> vector<16xi32>
        %ne3A = arith.cmpi ne, %gather3A_145, %masked_sort3A_55 : vector<16xi32>
        %eq3A_146 = arith.constant 15 : i32
        %eq3A_147 = vector.broadcast %eq3A_146 : i32 to vector<16xi32>
        %eq3A_148 = arith.cmpi eq, %iota3A, %eq3A_147 : vector<16xi32>
        %or3A = arith.ori %ne3A, %eq3A_148 : vector<16xi1>
        %gather3A_149 = tpu.vector_load_idx %arg7[%masked_sort3A_54] : memref<10000xf32, #tpu.memory_space<vmem>>[vector<16xi32>], vector<16xf32>,
        tpu.vector_store_idx %arg9[%masked_sort3A_55], %gather3A_149 {add = true} : memref<10000xf32, #tpu.memory_space<vmem>>[vector<16xi32>], vector<16xf32>,
        %gather3A_150 = tpu.vector_load_idx %arg11[%masked_sort3A_55] : memref<10000xf32, #tpu.memory_space<vmem>>[vector<16xi32>], vector<16xf32>,
        %sub3A_151 = arith.constant 1 : i32
        %sub3A_152 = vector.broadcast %sub3A_151 : i32 to vector<16xi32>
        %sub3A_153 = arith.subi %iota3A, %sub3A_152 : vector<16xi32>
        %max3A_154 = arith.constant 0 : i32
        %max3A_155 = vector.broadcast %max3A_154 : i32 to vector<16xi32>
        %max3A_156 = arith.maxsi %sub3A_153, %max3A_155 : vector<16xi32>
        %lt3A_157 = arith.constant 0 : i32
        %lt3A_158 = vector.broadcast %lt3A_157 : i32 to vector<16xi32>
        %lt3A_159 = arith.cmpi slt, %max3A_156, %lt3A_158 : vector<16xi32>
        %add3A_160 = arith.constant 16 : i32
        %add3A_161 = vector.broadcast %add3A_160 : i32 to vector<16xi32>
        %add3A_162 = arith.addi %max3A_156, %add3A_161 : vector<16xi32>
        %select_n3A_163 = arith.select %lt3A_159, %add3A_162, %max3A_156 : vector<16xi1>, vector<16xi32>
        %broadcast_in_dim3A_164 = vector.shape_cast %select_n3A_163 : vector<16xi32> to vector<16x1xi32>
        %gather3A_165 = vector.shape_cast %broadcast_in_dim3A_164 : vector<16x1xi32> to vector<16xi32>
        %gather3A_166 = tpu.dynamic_gather %gather3A_149[%gather3A_165] in [0] : vector<16xf32>, vector<16xi32> -> vector<16xf32>
        %max3A_167 = arith.maximumf %gather3A_149, %gather3A_166 : vector<16xf32>
        %select_n3A_168 = arith.select %and3A, %max3A_167, %gather3A_149 : vector<16xi1>, vector<16xf32>
        %sub3A_169 = arith.constant 2 : i32
        %sub3A_170 = vector.broadcast %sub3A_169 : i32 to vector<16xi32>
        %sub3A_171 = arith.subi %iota3A, %sub3A_170 : vector<16xi32>
        %max3A_172 = arith.constant 0 : i32
        %max3A_173 = vector.broadcast %max3A_172 : i32 to vector<16xi32>
        %max3A_174 = arith.maxsi %sub3A_171, %max3A_173 : vector<16xi32>
        %lt3A_175 = arith.constant 0 : i32
        %lt3A_176 = vector.broadcast %lt3A_175 : i32 to vector<16xi32>
        %lt3A_177 = arith.cmpi slt, %max3A_174, %lt3A_176 : vector<16xi32>
        %add3A_178 = arith.constant 16 : i32
        %add3A_179 = vector.broadcast %add3A_178 : i32 to vector<16xi32>
        %add3A_180 = arith.addi %max3A_174, %add3A_179 : vector<16xi32>
        %select_n3A_181 = arith.select %lt3A_177, %add3A_180, %max3A_174 : vector<16xi1>, vector<16xi32>
        %broadcast_in_dim3A_182 = vector.shape_cast %select_n3A_181 : vector<16xi32> to vector<16x1xi32>
        %gather3A_183 = vector.shape_cast %broadcast_in_dim3A_182 : vector<16x1xi32> to vector<16xi32>
        %gather3A_184 = tpu.dynamic_gather %select_n3A_168[%gather3A_183] in [0] : vector<16xf32>, vector<16xi32> -> vector<16xf32>
        %max3A_185 = arith.maximumf %select_n3A_168, %gather3A_184 : vector<16xf32>
        %select_n3A_186 = arith.select %and3A_88, %max3A_185, %select_n3A_168 : vector<16xi1>, vector<16xf32>
        %sub3A_187 = arith.constant 4 : i32
        %sub3A_188 = vector.broadcast %sub3A_187 : i32 to vector<16xi32>
        %sub3A_189 = arith.subi %iota3A, %sub3A_188 : vector<16xi32>
        %max3A_190 = arith.constant 0 : i32
        %max3A_191 = vector.broadcast %max3A_190 : i32 to vector<16xi32>
        %max3A_192 = arith.maxsi %sub3A_189, %max3A_191 : vector<16xi32>
        %lt3A_193 = arith.constant 0 : i32
        %lt3A_194 = vector.broadcast %lt3A_193 : i32 to vector<16xi32>
        %lt3A_195 = arith.cmpi slt, %max3A_192, %lt3A_194 : vector<16xi32>
        %add3A_196 = arith.constant 16 : i32
        %add3A_197 = vector.broadcast %add3A_196 : i32 to vector<16xi32>
        %add3A_198 = arith.addi %max3A_192, %add3A_197 : vector<16xi32>
        %select_n3A_199 = arith.select %lt3A_195, %add3A_198, %max3A_192 : vector<16xi1>, vector<16xi32>
        %broadcast_in_dim3A_200 = vector.shape_cast %select_n3A_199 : vector<16xi32> to vector<16x1xi32>
        %gather3A_201 = vector.shape_cast %broadcast_in_dim3A_200 : vector<16x1xi32> to vector<16xi32>
        %gather3A_202 = tpu.dynamic_gather %select_n3A_186[%gather3A_201] in [0] : vector<16xf32>, vector<16xi32> -> vector<16xf32>
        %max3A_203 = arith.maximumf %select_n3A_186, %gather3A_202 : vector<16xf32>
        %select_n3A_204 = arith.select %and3A_109, %max3A_203, %select_n3A_186 : vector<16xi1>, vector<16xf32>
        %sub3A_205 = arith.constant 8 : i32
        %sub3A_206 = vector.broadcast %sub3A_205 : i32 to vector<16xi32>
        %sub3A_207 = arith.subi %iota3A, %sub3A_206 : vector<16xi32>
        %max3A_208 = arith.constant 0 : i32
        %max3A_209 = vector.broadcast %max3A_208 : i32 to vector<16xi32>
        %max3A_210 = arith.maxsi %sub3A_207, %max3A_209 : vector<16xi32>
        %lt3A_211 = arith.constant 0 : i32
        %lt3A_212 = vector.broadcast %lt3A_211 : i32 to vector<16xi32>
        %lt3A_213 = arith.cmpi slt, %max3A_210, %lt3A_212 : vector<16xi32>
        %add3A_214 = arith.constant 16 : i32
        %add3A_215 = vector.broadcast %add3A_214 : i32 to vector<16xi32>
        %add3A_216 = arith.addi %max3A_210, %add3A_215 : vector<16xi32>
        %select_n3A_217 = arith.select %lt3A_213, %add3A_216, %max3A_210 : vector<16xi1>, vector<16xi32>
        %broadcast_in_dim3A_218 = vector.shape_cast %select_n3A_217 : vector<16xi32> to vector<16x1xi32>
        %gather3A_219 = vector.shape_cast %broadcast_in_dim3A_218 : vector<16x1xi32> to vector<16xi32>
        %gather3A_220 = tpu.dynamic_gather %select_n3A_204[%gather3A_219] in [0] : vector<16xf32>, vector<16xi32> -> vector<16xf32>
        %max3A_221 = arith.maximumf %select_n3A_204, %gather3A_220 : vector<16xf32>
        %select_n3A_222 = arith.select %and3A_130, %max3A_221, %select_n3A_204 : vector<16xi1>, vector<16xf32>
        %max3A_223 = arith.maximumf %gather3A_150, %select_n3A_222 : vector<16xf32>
        tpu.vector_store_idx %arg11[%masked_sort3A_55], %max3A_223 masked %or3A : memref<10000xf32, #tpu.memory_space<vmem>>[vector<16xi32>], vector<16xf32>, vector<16xi1>
        %gather3A_224 = tpu.vector_load_idx %arg8[%masked_sort3A_54] : memref<10000xf32, #tpu.memory_space<vmem>>[vector<16xi32>], vector<16xf32>,
        tpu.vector_store_idx %arg10[%masked_sort3A_55], %gather3A_224 {add = true} : memref<10000xf32, #tpu.memory_space<vmem>>[vector<16xi32>], vector<16xf32>,
        %gather3A_225 = tpu.vector_load_idx %arg12[%masked_sort3A_55] : memref<10000xf32, #tpu.memory_space<vmem>>[vector<16xi32>], vector<16xf32>,
        %sub3A_226 = arith.constant 1 : i32
        %sub3A_227 = vector.broadcast %sub3A_226 : i32 to vector<16xi32>
        %sub3A_228 = arith.subi %iota3A, %sub3A_227 : vector<16xi32>
        %max3A_229 = arith.constant 0 : i32
        %max3A_230 = vector.broadcast %max3A_229 : i32 to vector<16xi32>
        %max3A_231 = arith.maxsi %sub3A_228, %max3A_230 : vector<16xi32>
        %lt3A_232 = arith.constant 0 : i32
        %lt3A_233 = vector.broadcast %lt3A_232 : i32 to vector<16xi32>
        %lt3A_234 = arith.cmpi slt, %max3A_231, %lt3A_233 : vector<16xi32>
        %add3A_235 = arith.constant 16 : i32
        %add3A_236 = vector.broadcast %add3A_235 : i32 to vector<16xi32>
        %add3A_237 = arith.addi %max3A_231, %add3A_236 : vector<16xi32>
        %select_n3A_238 = arith.select %lt3A_234, %add3A_237, %max3A_231 : vector<16xi1>, vector<16xi32>
        %broadcast_in_dim3A_239 = vector.shape_cast %select_n3A_238 : vector<16xi32> to vector<16x1xi32>
        %gather3A_240 = vector.shape_cast %broadcast_in_dim3A_239 : vector<16x1xi32> to vector<16xi32>
        %gather3A_241 = tpu.dynamic_gather %gather3A_224[%gather3A_240] in [0] : vector<16xf32>, vector<16xi32> -> vector<16xf32>
        %max3A_242 = arith.maximumf %gather3A_224, %gather3A_241 : vector<16xf32>
        %select_n3A_243 = arith.select %and3A, %max3A_242, %gather3A_224 : vector<16xi1>, vector<16xf32>
        %sub3A_244 = arith.constant 2 : i32
        %sub3A_245 = vector.broadcast %sub3A_244 : i32 to vector<16xi32>
        %sub3A_246 = arith.subi %iota3A, %sub3A_245 : vector<16xi32>
        %max3A_247 = arith.constant 0 : i32
        %max3A_248 = vector.broadcast %max3A_247 : i32 to vector<16xi32>
        %max3A_249 = arith.maxsi %sub3A_246, %max3A_248 : vector<16xi32>
        %lt3A_250 = arith.constant 0 : i32
        %lt3A_251 = vector.broadcast %lt3A_250 : i32 to vector<16xi32>
        %lt3A_252 = arith.cmpi slt, %max3A_249, %lt3A_251 : vector<16xi32>
        %add3A_253 = arith.constant 16 : i32
        %add3A_254 = vector.broadcast %add3A_253 : i32 to vector<16xi32>
        %add3A_255 = arith.addi %max3A_249, %add3A_254 : vector<16xi32>
        %select_n3A_256 = arith.select %lt3A_252, %add3A_255, %max3A_249 : vector<16xi1>, vector<16xi32>
        %broadcast_in_dim3A_257 = vector.shape_cast %select_n3A_256 : vector<16xi32> to vector<16x1xi32>
        %gather3A_258 = vector.shape_cast %broadcast_in_dim3A_257 : vector<16x1xi32> to vector<16xi32>
        %gather3A_259 = tpu.dynamic_gather %select_n3A_243[%gather3A_258] in [0] : vector<16xf32>, vector<16xi32> -> vector<16xf32>
        %max3A_260 = arith.maximumf %select_n3A_243, %gather3A_259 : vector<16xf32>
        %select_n3A_261 = arith.select %and3A_88, %max3A_260, %select_n3A_243 : vector<16xi1>, vector<16xf32>
        %sub3A_262 = arith.constant 4 : i32
        %sub3A_263 = vector.broadcast %sub3A_262 : i32 to vector<16xi32>
        %sub3A_264 = arith.subi %iota3A, %sub3A_263 : vector<16xi32>
        %max3A_265 = arith.constant 0 : i32
        %max3A_266 = vector.broadcast %max3A_265 : i32 to vector<16xi32>
        %max3A_267 = arith.maxsi %sub3A_264, %max3A_266 : vector<16xi32>
        %lt3A_268 = arith.constant 0 : i32
        %lt3A_269 = vector.broadcast %lt3A_268 : i32 to vector<16xi32>
        %lt3A_270 = arith.cmpi slt, %max3A_267, %lt3A_269 : vector<16xi32>
        %add3A_271 = arith.constant 16 : i32
        %add3A_272 = vector.broadcast %add3A_271 : i32 to vector<16xi32>
        %add3A_273 = arith.addi %max3A_267, %add3A_272 : vector<16xi32>
        %select_n3A_274 = arith.select %lt3A_270, %add3A_273, %max3A_267 : vector<16xi1>, vector<16xi32>
        %broadcast_in_dim3A_275 = vector.shape_cast %select_n3A_274 : vector<16xi32> to vector<16x1xi32>
        %gather3A_276 = vector.shape_cast %broadcast_in_dim3A_275 : vector<16x1xi32> to vector<16xi32>
        %gather3A_277 = tpu.dynamic_gather %select_n3A_261[%gather3A_276] in [0] : vector<16xf32>, vector<16xi32> -> vector<16xf32>
        %max3A_278 = arith.maximumf %select_n3A_261, %gather3A_277 : vector<16xf32>
        %select_n3A_279 = arith.select %and3A_109, %max3A_278, %select_n3A_261 : vector<16xi1>, vector<16xf32>
        %sub3A_280 = arith.constant 8 : i32
        %sub3A_281 = vector.broadcast %sub3A_280 : i32 to vector<16xi32>
        %sub3A_282 = arith.subi %iota3A, %sub3A_281 : vector<16xi32>
        %max3A_283 = arith.constant 0 : i32
        %max3A_284 = vector.broadcast %max3A_283 : i32 to vector<16xi32>
        %max3A_285 = arith.maxsi %sub3A_282, %max3A_284 : vector<16xi32>
        %lt3A_286 = arith.constant 0 : i32
        %lt3A_287 = vector.broadcast %lt3A_286 : i32 to vector<16xi32>
        %lt3A_288 = arith.cmpi slt, %max3A_285, %lt3A_287 : vector<16xi32>
        %add3A_289 = arith.constant 16 : i32
        %add3A_290 = vector.broadcast %add3A_289 : i32 to vector<16xi32>
        %add3A_291 = arith.addi %max3A_285, %add3A_290 : vector<16xi32>
        %select_n3A_292 = arith.select %lt3A_288, %add3A_291, %max3A_285 : vector<16xi1>, vector<16xi32>
        %broadcast_in_dim3A_293 = vector.shape_cast %select_n3A_292 : vector<16xi32> to vector<16x1xi32>
        %gather3A_294 = vector.shape_cast %broadcast_in_dim3A_293 : vector<16x1xi32> to vector<16xi32>
        %gather3A_295 = tpu.dynamic_gather %select_n3A_279[%gather3A_294] in [0] : vector<16xf32>, vector<16xi32> -> vector<16xf32>
        %max3A_296 = arith.maximumf %select_n3A_279, %gather3A_295 : vector<16xf32>
        %select_n3A_297 = arith.select %and3A_130, %max3A_296, %select_n3A_279 : vector<16xi1>, vector<16xf32>
        %max3A_298 = arith.maximumf %gather3A_225, %select_n3A_297 : vector<16xf32>
        tpu.vector_store_idx %arg12[%masked_sort3A_55], %max3A_298 masked %or3A : memref<10000xf32, #tpu.memory_space<vmem>>[vector<16xi32>], vector<16xf32>, vector<16xi1>
      }
      %scan3A_40 = arith.constant 1250 : i32
    }
    %scan3A_17 = arith.constant 16 : i32
    %mul3A_18 = arith.constant 2 : i32
    %mul3A_19 = arith.muli %add3A, %mul3A_18 : i32
    "tpu.region"() ({
      %run_scoped3A = tpu.sem_alloc : memref<!tpu.dma_semaphore, #tpu.memory_space<semaphore_mem>>
      %dma_start3A = arith.constant 0 : i32
      %dma_start3A_30 = tpu.memref_slice %arg5[%mul3A_19, %dma_start3A] : memref<64x10000xf32, #tpu.memory_space<hbm>> -> memref<1x10000xf32, #tpu.memory_space<hbm>>
      %dma_start3A_31 = tpu.memref_squeeze %dma_start3A_30 : memref<1x10000xf32, #tpu.memory_space<hbm>> -> memref<10000xf32, #tpu.memory_space<hbm>>
      %dma_start3A_32 = arith.constant 0 : i32
      %dma_start3A_33 = tpu.memref_slice %arg5[%mul3A_19, %dma_start3A_32] : memref<64x10000xf32, #tpu.memory_space<hbm>> -> memref<1x10000xf32, #tpu.memory_space<hbm>>
      %dma_start3A_34 = tpu.memref_squeeze %dma_start3A_33 : memref<1x10000xf32, #tpu.memory_space<hbm>> -> memref<10000xf32, #tpu.memory_space<hbm>>
      tpu.enqueue_dma source(%arg9 : memref<10000xf32, #tpu.memory_space<vmem>>) target(%dma_start3A_34 : memref<10000xf32, #tpu.memory_space<hbm>>) target_semaphore(%run_scoped3A : memref<!tpu.dma_semaphore, #tpu.memory_space<semaphore_mem>>)
      %dma_wait3A = arith.constant 0 : i32
      %dma_wait3A_35 = tpu.memref_slice %arg5[%mul3A_19, %dma_wait3A] : memref<64x10000xf32, #tpu.memory_space<hbm>> -> memref<1x10000xf32, #tpu.memory_space<hbm>>
      %dma_wait3A_36 = tpu.memref_squeeze %dma_wait3A_35 : memref<1x10000xf32, #tpu.memory_space<hbm>> -> memref<10000xf32, #tpu.memory_space<hbm>>
      %dma_wait3A_37 = arith.constant 0 : i32
      %dma_wait3A_38 = tpu.memref_slice %arg5[%mul3A_19, %dma_wait3A_37] : memref<64x10000xf32, #tpu.memory_space<hbm>> -> memref<1x10000xf32, #tpu.memory_space<hbm>>
      %dma_wait3A_39 = tpu.memref_squeeze %dma_wait3A_38 : memref<1x10000xf32, #tpu.memory_space<hbm>> -> memref<10000xf32, #tpu.memory_space<hbm>>
      tpu.wait_dma2 semaphore(%run_scoped3A : memref<!tpu.dma_semaphore, #tpu.memory_space<semaphore_mem>>) src(%arg9 : memref<10000xf32, #tpu.memory_space<vmem>>) dst(%dma_wait3A_39 : memref<10000xf32, #tpu.memory_space<hbm>>)
      tpu.yield
    }) : () -> ()
    %mul3A_20 = arith.constant 2 : i32
    %mul3A_21 = arith.muli %add3A, %mul3A_20 : i32
    %add3A_22 = arith.constant 1 : i32
    %add3A_23 = arith.addi %mul3A_21, %add3A_22 : i32
    "tpu.region"() ({
      %run_scoped3A = tpu.sem_alloc : memref<!tpu.dma_semaphore, #tpu.memory_space<semaphore_mem>>
      %dma_start3A = arith.constant 0 : i32
      %dma_start3A_30 = tpu.memref_slice %arg5[%add3A_23, %dma_start3A] : memref<64x10000xf32, #tpu.memory_space<hbm>> -> memref<1x10000xf32, #tpu.memory_space<hbm>>
      %dma_start3A_31 = tpu.memref_squeeze %dma_start3A_30 : memref<1x10000xf32, #tpu.memory_space<hbm>> -> memref<10000xf32, #tpu.memory_space<hbm>>
      %dma_start3A_32 = arith.constant 0 : i32
      %dma_start3A_33 = tpu.memref_slice %arg5[%add3A_23, %dma_start3A_32] : memref<64x10000xf32, #tpu.memory_space<hbm>> -> memref<1x10000xf32, #tpu.memory_space<hbm>>
      %dma_start3A_34 = tpu.memref_squeeze %dma_start3A_33 : memref<1x10000xf32, #tpu.memory_space<hbm>> -> memref<10000xf32, #tpu.memory_space<hbm>>
      tpu.enqueue_dma source(%arg10 : memref<10000xf32, #tpu.memory_space<vmem>>) target(%dma_start3A_34 : memref<10000xf32, #tpu.memory_space<hbm>>) target_semaphore(%run_scoped3A : memref<!tpu.dma_semaphore, #tpu.memory_space<semaphore_mem>>)
      %dma_wait3A = arith.constant 0 : i32
      %dma_wait3A_35 = tpu.memref_slice %arg5[%add3A_23, %dma_wait3A] : memref<64x10000xf32, #tpu.memory_space<hbm>> -> memref<1x10000xf32, #tpu.memory_space<hbm>>
      %dma_wait3A_36 = tpu.memref_squeeze %dma_wait3A_35 : memref<1x10000xf32, #tpu.memory_space<hbm>> -> memref<10000xf32, #tpu.memory_space<hbm>>
      %dma_wait3A_37 = arith.constant 0 : i32
      %dma_wait3A_38 = tpu.memref_slice %arg5[%add3A_23, %dma_wait3A_37] : memref<64x10000xf32, #tpu.memory_space<hbm>> -> memref<1x10000xf32, #tpu.memory_space<hbm>>
      %dma_wait3A_39 = tpu.memref_squeeze %dma_wait3A_38 : memref<1x10000xf32, #tpu.memory_space<hbm>> -> memref<10000xf32, #tpu.memory_space<hbm>>
      tpu.wait_dma2 semaphore(%run_scoped3A : memref<!tpu.dma_semaphore, #tpu.memory_space<semaphore_mem>>) src(%arg10 : memref<10000xf32, #tpu.memory_space<vmem>>) dst(%dma_wait3A_39 : memref<10000xf32, #tpu.memory_space<hbm>>)
      tpu.yield
    }) : () -> ()
    %mul3A_24 = arith.constant 2 : i32
    %mul3A_25 = arith.muli %add3A, %mul3A_24 : i32
    "tpu.region"() ({
      %run_scoped3A = tpu.sem_alloc : memref<!tpu.dma_semaphore, #tpu.memory_space<semaphore_mem>>
      %dma_start3A = arith.constant 0 : i32
      %dma_start3A_30 = tpu.memref_slice %arg6[%mul3A_25, %dma_start3A] : memref<64x10000xf32, #tpu.memory_space<hbm>> -> memref<1x10000xf32, #tpu.memory_space<hbm>>
      %dma_start3A_31 = tpu.memref_squeeze %dma_start3A_30 : memref<1x10000xf32, #tpu.memory_space<hbm>> -> memref<10000xf32, #tpu.memory_space<hbm>>
      %dma_start3A_32 = arith.constant 0 : i32
      %dma_start3A_33 = tpu.memref_slice %arg6[%mul3A_25, %dma_start3A_32] : memref<64x10000xf32, #tpu.memory_space<hbm>> -> memref<1x10000xf32, #tpu.memory_space<hbm>>
      %dma_start3A_34 = tpu.memref_squeeze %dma_start3A_33 : memref<1x10000xf32, #tpu.memory_space<hbm>> -> memref<10000xf32, #tpu.memory_space<hbm>>
      tpu.enqueue_dma source(%arg11 : memref<10000xf32, #tpu.memory_space<vmem>>) target(%dma_start3A_34 : memref<10000xf32, #tpu.memory_space<hbm>>) target_semaphore(%run_scoped3A : memref<!tpu.dma_semaphore, #tpu.memory_space<semaphore_mem>>)
      %dma_wait3A = arith.constant 0 : i32
      %dma_wait3A_35 = tpu.memref_slice %arg6[%mul3A_25, %dma_wait3A] : memref<64x10000xf32, #tpu.memory_space<hbm>> -> memref<1x10000xf32, #tpu.memory_space<hbm>>
      %dma_wait3A_36 = tpu.memref_squeeze %dma_wait3A_35 : memref<1x10000xf32, #tpu.memory_space<hbm>> -> memref<10000xf32, #tpu.memory_space<hbm>>
      %dma_wait3A_37 = arith.constant 0 : i32
      %dma_wait3A_38 = tpu.memref_slice %arg6[%mul3A_25, %dma_wait3A_37] : memref<64x10000xf32, #tpu.memory_space<hbm>> -> memref<1x10000xf32, #tpu.memory_space<hbm>>
      %dma_wait3A_39 = tpu.memref_squeeze %dma_wait3A_38 : memref<1x10000xf32, #tpu.memory_space<hbm>> -> memref<10000xf32, #tpu.memory_space<hbm>>
      tpu.wait_dma2 semaphore(%run_scoped3A : memref<!tpu.dma_semaphore, #tpu.memory_space<semaphore_mem>>) src(%arg11 : memref<10000xf32, #tpu.memory_space<vmem>>) dst(%dma_wait3A_39 : memref<10000xf32, #tpu.memory_space<hbm>>)
      tpu.yield
    }) : () -> ()
    %mul3A_26 = arith.constant 2 : i32
    %mul3A_27 = arith.muli %add3A, %mul3A_26 : i32
    %add3A_28 = arith.constant 1 : i32
    %add3A_29 = arith.addi %mul3A_27, %add3A_28 : i32
    "tpu.region"() ({
      %run_scoped3A = tpu.sem_alloc : memref<!tpu.dma_semaphore, #tpu.memory_space<semaphore_mem>>
      %dma_start3A = arith.constant 0 : i32
      %dma_start3A_30 = tpu.memref_slice %arg6[%add3A_29, %dma_start3A] : memref<64x10000xf32, #tpu.memory_space<hbm>> -> memref<1x10000xf32, #tpu.memory_space<hbm>>
      %dma_start3A_31 = tpu.memref_squeeze %dma_start3A_30 : memref<1x10000xf32, #tpu.memory_space<hbm>> -> memref<10000xf32, #tpu.memory_space<hbm>>
      %dma_start3A_32 = arith.constant 0 : i32
      %dma_start3A_33 = tpu.memref_slice %arg6[%add3A_29, %dma_start3A_32] : memref<64x10000xf32, #tpu.memory_space<hbm>> -> memref<1x10000xf32, #tpu.memory_space<hbm>>
      %dma_start3A_34 = tpu.memref_squeeze %dma_start3A_33 : memref<1x10000xf32, #tpu.memory_space<hbm>> -> memref<10000xf32, #tpu.memory_space<hbm>>
      tpu.enqueue_dma source(%arg12 : memref<10000xf32, #tpu.memory_space<vmem>>) target(%dma_start3A_34 : memref<10000xf32, #tpu.memory_space<hbm>>) target_semaphore(%run_scoped3A : memref<!tpu.dma_semaphore, #tpu.memory_space<semaphore_mem>>)
      %dma_wait3A = arith.constant 0 : i32
      %dma_wait3A_35 = tpu.memref_slice %arg6[%add3A_29, %dma_wait3A] : memref<64x10000xf32, #tpu.memory_space<hbm>> -> memref<1x10000xf32, #tpu.memory_space<hbm>>
      %dma_wait3A_36 = tpu.memref_squeeze %dma_wait3A_35 : memref<1x10000xf32, #tpu.memory_space<hbm>> -> memref<10000xf32, #tpu.memory_space<hbm>>
      %dma_wait3A_37 = arith.constant 0 : i32
      %dma_wait3A_38 = tpu.memref_slice %arg6[%add3A_29, %dma_wait3A_37] : memref<64x10000xf32, #tpu.memory_space<hbm>> -> memref<1x10000xf32, #tpu.memory_space<hbm>>
      %dma_wait3A_39 = tpu.memref_squeeze %dma_wait3A_38 : memref<1x10000xf32, #tpu.memory_space<hbm>> -> memref<10000xf32, #tpu.memory_space<hbm>>
      tpu.wait_dma2 semaphore(%run_scoped3A : memref<!tpu.dma_semaphore, #tpu.memory_space<semaphore_mem>>) src(%arg12 : memref<10000xf32, #tpu.memory_space<vmem>>) dst(%dma_wait3A_39 : memref<10000xf32, #tpu.memory_space<hbm>>)
      tpu.yield
    }) : () -> ()
    return
  }
}

module attributes {stable_mosaic.version = 14 : i64} {
  func.func @_pre_body(%arg0: memref<10000x128xf32, #tpu.memory_space<vmem>>, %arg1: memref<128x64xf32, #tpu.memory_space<vmem>>, %arg2: memref<128x64xf32, #tpu.memory_space<vmem>>, %arg3: memref<1x64xf32, #tpu.memory_space<vmem>>, %arg4: memref<10000x64xf32, #tpu.memory_space<vmem>>, %arg5: memref<10000x64xf32, #tpu.memory_space<vmem>>) attributes {dimension_semantics = [], scalar_prefetch = 0 : i64, scratch_operands = 0 : i64, tpu.core_type = #tpu.core_type<tc>} {
    %get3A = arith.constant 0 : index
    %get3A_0 = arith.constant 0 : index
    %get3A_1 = vector.load %arg0[%get3A, %get3A_0] : memref<10000x128xf32, #tpu.memory_space<vmem>>, vector<10000x128xf32>
    %get3A_2 = arith.constant 0 : index
    %get3A_3 = arith.constant 0 : index
    %get3A_4 = vector.load %arg1[%get3A_2, %get3A_3] : memref<128x64xf32, #tpu.memory_space<vmem>>, vector<128x64xf32>
    %dot_general3A = arith.constant dense<0.000000e+00> : vector<10000x64xf32>
    %dot_general3A_5 = tpu.matmul %get3A_1, %get3A_4, %dot_general3A {dimension_numbers = #tpu.dot_dimension_numbers<[1], [0], [0], [1], [0, 0, 1, 1], [], []>, transpose_lhs_hint = false} : vector<10000x128xf32>, vector<128x64xf32>, vector<10000x64xf32> -> vector<10000x64xf32>
    %swap3A = arith.constant 0 : index
    %swap3A_6 = arith.constant 0 : index
    %swap3A_7 = vector.load %arg4[%swap3A, %swap3A_6] : memref<10000x64xf32, #tpu.memory_space<vmem>>, vector<10000x64xf32>
    tpu.vector_store %arg4[%swap3A, %swap3A_6], %dot_general3A_5 {strides = array<i32>} : memref<10000x64xf32, #tpu.memory_space<vmem>>, vector<10000x64xf32>,
    %get3A_8 = arith.constant 0 : index
    %get3A_9 = arith.constant 0 : index
    %get3A_10 = vector.load %arg2[%get3A_8, %get3A_9] : memref<128x64xf32, #tpu.memory_space<vmem>>, vector<128x64xf32>
    %dot_general3A_11 = arith.constant dense<0.000000e+00> : vector<10000x64xf32>
    %dot_general3A_12 = tpu.matmul %get3A_1, %get3A_10, %dot_general3A_11 {dimension_numbers = #tpu.dot_dimension_numbers<[1], [0], [0], [1], [0, 0, 1, 1], [], []>, transpose_lhs_hint = false} : vector<10000x128xf32>, vector<128x64xf32>, vector<10000x64xf32> -> vector<10000x64xf32>
    %get3A_13 = arith.constant 0 : index
    %get3A_14 = arith.constant 0 : index
    %get3A_15 = vector.load %arg3[%get3A_13, %get3A_14] : memref<1x64xf32, #tpu.memory_space<vmem>>, vector<1x64xf32>
    %add3A = vector.broadcast %get3A_15 : vector<1x64xf32> to vector<10000x64xf32>
    %add3A_16 = arith.addf %dot_general3A_12, %add3A : vector<10000x64xf32>
    %swap3A_17 = arith.constant 0 : index
    %swap3A_18 = arith.constant 0 : index
    %swap3A_19 = vector.load %arg5[%swap3A_17, %swap3A_18] : memref<10000x64xf32, #tpu.memory_space<vmem>>, vector<10000x64xf32>
    tpu.vector_store %arg5[%swap3A_17, %swap3A_18], %add3A_16 {strides = array<i32>} : memref<10000x64xf32, #tpu.memory_space<vmem>>, vector<10000x64xf32>,
    return
  }
}

module attributes {stable_mosaic.version = 14 : i64} {
  func.func @_post_body(%arg0: memref<10000x64xf32, #tpu.memory_space<vmem>>, %arg1: memref<10000x64xf32, #tpu.memory_space<vmem>>, %arg2: memref<10000x64xf32, #tpu.memory_space<vmem>>, %arg3: memref<10000x64xf32, #tpu.memory_space<vmem>>, %arg4: memref<10000x1xi32, #tpu.memory_space<vmem>>, %arg5: memref<8x64x128xf32, #tpu.memory_space<vmem>>, %arg6: memref<8x128x128xf32, #tpu.memory_space<vmem>>, %arg7: memref<1x128xf32, #tpu.memory_space<vmem>>, %arg8: memref<1x128xf32, #tpu.memory_space<vmem>>, %arg9: memref<1x128xf32, #tpu.memory_space<vmem>>, %arg10: memref<1x128xf32, #tpu.memory_space<vmem>>, %arg11: memref<10000x128xf32, #tpu.memory_space<vmem>>) attributes {dimension_semantics = [], scalar_prefetch = 0 : i64, scratch_operands = 0 : i64, tpu.core_type = #tpu.core_type<tc>} {
    %get3A = arith.constant 0 : index
    %get3A_0 = arith.constant 0 : index
    %get3A_1 = vector.load %arg2[%get3A, %get3A_0] : memref<10000x64xf32, #tpu.memory_space<vmem>>, vector<10000x64xf32>
    %get3A_2 = arith.constant 0 : index
    %get3A_3 = arith.constant 0 : index
    %get3A_4 = vector.load %arg0[%get3A_2, %get3A_3] : memref<10000x64xf32, #tpu.memory_space<vmem>>, vector<10000x64xf32>
    %add3A = arith.addf %get3A_4, %get3A_1 : vector<10000x64xf32>
    %get3A_5 = arith.constant 0 : index
    %get3A_6 = arith.constant 0 : index
    %get3A_7 = vector.load %arg1[%get3A_5, %get3A_6] : memref<10000x64xf32, #tpu.memory_space<vmem>>, vector<10000x64xf32>
    %max3A = arith.maximumf %get3A_7, %get3A_1 : vector<10000x64xf32>
    %concatenate3A = tpu.concatenate %add3A, %max3A in 1 : vector<10000x64xf32>, vector<10000x64xf32> -> vector<10000x128xf32>
    %get3A_8 = arith.constant 0 : index
    %get3A_9 = arith.constant 0 : index
    %get3A_10 = vector.load %arg3[%get3A_8, %get3A_9] : memref<10000x64xf32, #tpu.memory_space<vmem>>, vector<10000x64xf32>
    %get3A_11 = arith.constant 0 : index
    %get3A_12 = arith.constant 0 : index
    %get3A_13 = vector.load %arg7[%get3A_11, %get3A_12] : memref<1x128xf32, #tpu.memory_space<vmem>>, vector<1x128xf32>
    %broadcast_in_dim3A = vector.shape_cast %get3A_13 : vector<1x128xf32> to vector<1x128xf32>
    %broadcast_in_dim3A_14 = vector.broadcast %broadcast_in_dim3A : vector<1x128xf32> to vector<10000x128xf32>
    %get3A_15 = arith.constant 0 : index
    %get3A_16 = arith.constant 0 : index
    %get3A_17 = arith.constant 0 : index
    %get3A_18 = vector.load %arg5[%get3A_15, %get3A_16, %get3A_17] : memref<8x64x128xf32, #tpu.memory_space<vmem>>, vector<1x64x128xf32>
    %get3A_19 = vector.shape_cast %get3A_18 : vector<1x64x128xf32> to vector<64x128xf32>
    %dot_general3A = arith.constant dense<0.000000e+00> : vector<10000x128xf32>
    %dot_general3A_20 = tpu.matmul %get3A_10, %get3A_19, %dot_general3A {dimension_numbers = #tpu.dot_dimension_numbers<[1], [0], [0], [1], [0, 0, 1, 1], [], []>, transpose_lhs_hint = false} : vector<10000x64xf32>, vector<64x128xf32>, vector<10000x128xf32> -> vector<10000x128xf32>
    %get3A_21 = arith.constant 0 : index
    %get3A_22 = arith.constant 0 : index
    %get3A_23 = arith.constant 0 : index
    %get3A_24 = vector.load %arg6[%get3A_21, %get3A_22, %get3A_23] : memref<8x128x128xf32, #tpu.memory_space<vmem>>, vector<1x128x128xf32>
    %get3A_25 = vector.shape_cast %get3A_24 : vector<1x128x128xf32> to vector<128x128xf32>
    %dot_general3A_26 = arith.constant dense<0.000000e+00> : vector<10000x128xf32>
    %dot_general3A_27 = tpu.matmul %concatenate3A, %get3A_25, %dot_general3A_26 {dimension_numbers = #tpu.dot_dimension_numbers<[1], [0], [0], [1], [0, 0, 1, 1], [], []>, transpose_lhs_hint = false} : vector<10000x128xf32>, vector<128x128xf32>, vector<10000x128xf32> -> vector<10000x128xf32>
    %mul3A = arith.mulf %dot_general3A_20, %dot_general3A_27 : vector<10000x128xf32>
    %add3A_28 = arith.addf %broadcast_in_dim3A_14, %mul3A : vector<10000x128xf32>
    %get3A_29 = arith.constant 1 : index
    %get3A_30 = arith.constant 0 : index
    %get3A_31 = arith.constant 0 : index
    %get3A_32 = vector.load %arg5[%get3A_29, %get3A_30, %get3A_31] : memref<8x64x128xf32, #tpu.memory_space<vmem>>, vector<1x64x128xf32>
    %get3A_33 = vector.shape_cast %get3A_32 : vector<1x64x128xf32> to vector<64x128xf32>
    %dot_general3A_34 = arith.constant dense<0.000000e+00> : vector<10000x128xf32>
    %dot_general3A_35 = tpu.matmul %get3A_10, %get3A_33, %dot_general3A_34 {dimension_numbers = #tpu.dot_dimension_numbers<[1], [0], [0], [1], [0, 0, 1, 1], [], []>, transpose_lhs_hint = false} : vector<10000x64xf32>, vector<64x128xf32>, vector<10000x128xf32> -> vector<10000x128xf32>
    %get3A_36 = arith.constant 1 : index
    %get3A_37 = arith.constant 0 : index
    %get3A_38 = arith.constant 0 : index
    %get3A_39 = vector.load %arg6[%get3A_36, %get3A_37, %get3A_38] : memref<8x128x128xf32, #tpu.memory_space<vmem>>, vector<1x128x128xf32>
    %get3A_40 = vector.shape_cast %get3A_39 : vector<1x128x128xf32> to vector<128x128xf32>
    %dot_general3A_41 = arith.constant dense<0.000000e+00> : vector<10000x128xf32>
    %dot_general3A_42 = tpu.matmul %concatenate3A, %get3A_40, %dot_general3A_41 {dimension_numbers = #tpu.dot_dimension_numbers<[1], [0], [0], [1], [0, 0, 1, 1], [], []>, transpose_lhs_hint = false} : vector<10000x128xf32>, vector<128x128xf32>, vector<10000x128xf32> -> vector<10000x128xf32>
    %mul3A_43 = arith.mulf %dot_general3A_35, %dot_general3A_42 : vector<10000x128xf32>
    %add3A_44 = arith.addf %add3A_28, %mul3A_43 : vector<10000x128xf32>
    %get3A_45 = arith.constant 2 : index
    %get3A_46 = arith.constant 0 : index
    %get3A_47 = arith.constant 0 : index
    %get3A_48 = vector.load %arg5[%get3A_45, %get3A_46, %get3A_47] : memref<8x64x128xf32, #tpu.memory_space<vmem>>, vector<1x64x128xf32>
    %get3A_49 = vector.shape_cast %get3A_48 : vector<1x64x128xf32> to vector<64x128xf32>
    %dot_general3A_50 = arith.constant dense<0.000000e+00> : vector<10000x128xf32>
    %dot_general3A_51 = tpu.matmul %get3A_10, %get3A_49, %dot_general3A_50 {dimension_numbers = #tpu.dot_dimension_numbers<[1], [0], [0], [1], [0, 0, 1, 1], [], []>, transpose_lhs_hint = false} : vector<10000x64xf32>, vector<64x128xf32>, vector<10000x128xf32> -> vector<10000x128xf32>
    %get3A_52 = arith.constant 2 : index
    %get3A_53 = arith.constant 0 : index
    %get3A_54 = arith.constant 0 : index
    %get3A_55 = vector.load %arg6[%get3A_52, %get3A_53, %get3A_54] : memref<8x128x128xf32, #tpu.memory_space<vmem>>, vector<1x128x128xf32>
    %get3A_56 = vector.shape_cast %get3A_55 : vector<1x128x128xf32> to vector<128x128xf32>
    %dot_general3A_57 = arith.constant dense<0.000000e+00> : vector<10000x128xf32>
    %dot_general3A_58 = tpu.matmul %concatenate3A, %get3A_56, %dot_general3A_57 {dimension_numbers = #tpu.dot_dimension_numbers<[1], [0], [0], [1], [0, 0, 1, 1], [], []>, transpose_lhs_hint = false} : vector<10000x128xf32>, vector<128x128xf32>, vector<10000x128xf32> -> vector<10000x128xf32>
    %mul3A_59 = arith.mulf %dot_general3A_51, %dot_general3A_58 : vector<10000x128xf32>
    %add3A_60 = arith.addf %add3A_44, %mul3A_59 : vector<10000x128xf32>
    %get3A_61 = arith.constant 3 : index
    %get3A_62 = arith.constant 0 : index
    %get3A_63 = arith.constant 0 : index
    %get3A_64 = vector.load %arg5[%get3A_61, %get3A_62, %get3A_63] : memref<8x64x128xf32, #tpu.memory_space<vmem>>, vector<1x64x128xf32>
    %get3A_65 = vector.shape_cast %get3A_64 : vector<1x64x128xf32> to vector<64x128xf32>
    %dot_general3A_66 = arith.constant dense<0.000000e+00> : vector<10000x128xf32>
    %dot_general3A_67 = tpu.matmul %get3A_10, %get3A_65, %dot_general3A_66 {dimension_numbers = #tpu.dot_dimension_numbers<[1], [0], [0], [1], [0, 0, 1, 1], [], []>, transpose_lhs_hint = false} : vector<10000x64xf32>, vector<64x128xf32>, vector<10000x128xf32> -> vector<10000x128xf32>
    %get3A_68 = arith.constant 3 : index
    %get3A_69 = arith.constant 0 : index
    %get3A_70 = arith.constant 0 : index
    %get3A_71 = vector.load %arg6[%get3A_68, %get3A_69, %get3A_70] : memref<8x128x128xf32, #tpu.memory_space<vmem>>, vector<1x128x128xf32>
    %get3A_72 = vector.shape_cast %get3A_71 : vector<1x128x128xf32> to vector<128x128xf32>
    %dot_general3A_73 = arith.constant dense<0.000000e+00> : vector<10000x128xf32>
    %dot_general3A_74 = tpu.matmul %concatenate3A, %get3A_72, %dot_general3A_73 {dimension_numbers = #tpu.dot_dimension_numbers<[1], [0], [0], [1], [0, 0, 1, 1], [], []>, transpose_lhs_hint = false} : vector<10000x128xf32>, vector<128x128xf32>, vector<10000x128xf32> -> vector<10000x128xf32>
    %mul3A_75 = arith.mulf %dot_general3A_67, %dot_general3A_74 : vector<10000x128xf32>
    %add3A_76 = arith.addf %add3A_60, %mul3A_75 : vector<10000x128xf32>
    %get3A_77 = arith.constant 4 : index
    %get3A_78 = arith.constant 0 : index
    %get3A_79 = arith.constant 0 : index
    %get3A_80 = vector.load %arg5[%get3A_77, %get3A_78, %get3A_79] : memref<8x64x128xf32, #tpu.memory_space<vmem>>, vector<1x64x128xf32>
    %get3A_81 = vector.shape_cast %get3A_80 : vector<1x64x128xf32> to vector<64x128xf32>
    %dot_general3A_82 = arith.constant dense<0.000000e+00> : vector<10000x128xf32>
    %dot_general3A_83 = tpu.matmul %get3A_10, %get3A_81, %dot_general3A_82 {dimension_numbers = #tpu.dot_dimension_numbers<[1], [0], [0], [1], [0, 0, 1, 1], [], []>, transpose_lhs_hint = false} : vector<10000x64xf32>, vector<64x128xf32>, vector<10000x128xf32> -> vector<10000x128xf32>
    %get3A_84 = arith.constant 4 : index
    %get3A_85 = arith.constant 0 : index
    %get3A_86 = arith.constant 0 : index
    %get3A_87 = vector.load %arg6[%get3A_84, %get3A_85, %get3A_86] : memref<8x128x128xf32, #tpu.memory_space<vmem>>, vector<1x128x128xf32>
    %get3A_88 = vector.shape_cast %get3A_87 : vector<1x128x128xf32> to vector<128x128xf32>
    %dot_general3A_89 = arith.constant dense<0.000000e+00> : vector<10000x128xf32>
    %dot_general3A_90 = tpu.matmul %concatenate3A, %get3A_88, %dot_general3A_89 {dimension_numbers = #tpu.dot_dimension_numbers<[1], [0], [0], [1], [0, 0, 1, 1], [], []>, transpose_lhs_hint = false} : vector<10000x128xf32>, vector<128x128xf32>, vector<10000x128xf32> -> vector<10000x128xf32>
    %mul3A_91 = arith.mulf %dot_general3A_83, %dot_general3A_90 : vector<10000x128xf32>
    %add3A_92 = arith.addf %add3A_76, %mul3A_91 : vector<10000x128xf32>
    %get3A_93 = arith.constant 5 : index
    %get3A_94 = arith.constant 0 : index
    %get3A_95 = arith.constant 0 : index
    %get3A_96 = vector.load %arg5[%get3A_93, %get3A_94, %get3A_95] : memref<8x64x128xf32, #tpu.memory_space<vmem>>, vector<1x64x128xf32>
    %get3A_97 = vector.shape_cast %get3A_96 : vector<1x64x128xf32> to vector<64x128xf32>
    %dot_general3A_98 = arith.constant dense<0.000000e+00> : vector<10000x128xf32>
    %dot_general3A_99 = tpu.matmul %get3A_10, %get3A_97, %dot_general3A_98 {dimension_numbers = #tpu.dot_dimension_numbers<[1], [0], [0], [1], [0, 0, 1, 1], [], []>, transpose_lhs_hint = false} : vector<10000x64xf32>, vector<64x128xf32>, vector<10000x128xf32> -> vector<10000x128xf32>
    %get3A_100 = arith.constant 5 : index
    %get3A_101 = arith.constant 0 : index
    %get3A_102 = arith.constant 0 : index
    %get3A_103 = vector.load %arg6[%get3A_100, %get3A_101, %get3A_102] : memref<8x128x128xf32, #tpu.memory_space<vmem>>, vector<1x128x128xf32>
    %get3A_104 = vector.shape_cast %get3A_103 : vector<1x128x128xf32> to vector<128x128xf32>
    %dot_general3A_105 = arith.constant dense<0.000000e+00> : vector<10000x128xf32>
    %dot_general3A_106 = tpu.matmul %concatenate3A, %get3A_104, %dot_general3A_105 {dimension_numbers = #tpu.dot_dimension_numbers<[1], [0], [0], [1], [0, 0, 1, 1], [], []>, transpose_lhs_hint = false} : vector<10000x128xf32>, vector<128x128xf32>, vector<10000x128xf32> -> vector<10000x128xf32>
    %mul3A_107 = arith.mulf %dot_general3A_99, %dot_general3A_106 : vector<10000x128xf32>
    %add3A_108 = arith.addf %add3A_92, %mul3A_107 : vector<10000x128xf32>
    %get3A_109 = arith.constant 6 : index
    %get3A_110 = arith.constant 0 : index
    %get3A_111 = arith.constant 0 : index
    %get3A_112 = vector.load %arg5[%get3A_109, %get3A_110, %get3A_111] : memref<8x64x128xf32, #tpu.memory_space<vmem>>, vector<1x64x128xf32>
    %get3A_113 = vector.shape_cast %get3A_112 : vector<1x64x128xf32> to vector<64x128xf32>
    %dot_general3A_114 = arith.constant dense<0.000000e+00> : vector<10000x128xf32>
    %dot_general3A_115 = tpu.matmul %get3A_10, %get3A_113, %dot_general3A_114 {dimension_numbers = #tpu.dot_dimension_numbers<[1], [0], [0], [1], [0, 0, 1, 1], [], []>, transpose_lhs_hint = false} : vector<10000x64xf32>, vector<64x128xf32>, vector<10000x128xf32> -> vector<10000x128xf32>
    %get3A_116 = arith.constant 6 : index
    %get3A_117 = arith.constant 0 : index
    %get3A_118 = arith.constant 0 : index
    %get3A_119 = vector.load %arg6[%get3A_116, %get3A_117, %get3A_118] : memref<8x128x128xf32, #tpu.memory_space<vmem>>, vector<1x128x128xf32>
    %get3A_120 = vector.shape_cast %get3A_119 : vector<1x128x128xf32> to vector<128x128xf32>
    %dot_general3A_121 = arith.constant dense<0.000000e+00> : vector<10000x128xf32>
    %dot_general3A_122 = tpu.matmul %concatenate3A, %get3A_120, %dot_general3A_121 {dimension_numbers = #tpu.dot_dimension_numbers<[1], [0], [0], [1], [0, 0, 1, 1], [], []>, transpose_lhs_hint = false} : vector<10000x128xf32>, vector<128x128xf32>, vector<10000x128xf32> -> vector<10000x128xf32>
    %mul3A_123 = arith.mulf %dot_general3A_115, %dot_general3A_122 : vector<10000x128xf32>
    %add3A_124 = arith.addf %add3A_108, %mul3A_123 : vector<10000x128xf32>
    %get3A_125 = arith.constant 7 : index
    %get3A_126 = arith.constant 0 : index
    %get3A_127 = arith.constant 0 : index
    %get3A_128 = vector.load %arg5[%get3A_125, %get3A_126, %get3A_127] : memref<8x64x128xf32, #tpu.memory_space<vmem>>, vector<1x64x128xf32>
    %get3A_129 = vector.shape_cast %get3A_128 : vector<1x64x128xf32> to vector<64x128xf32>
    %dot_general3A_130 = arith.constant dense<0.000000e+00> : vector<10000x128xf32>
    %dot_general3A_131 = tpu.matmul %get3A_10, %get3A_129, %dot_general3A_130 {dimension_numbers = #tpu.dot_dimension_numbers<[1], [0], [0], [1], [0, 0, 1, 1], [], []>, transpose_lhs_hint = false} : vector<10000x64xf32>, vector<64x128xf32>, vector<10000x128xf32> -> vector<10000x128xf32>
    %get3A_132 = arith.constant 7 : index
    %get3A_133 = arith.constant 0 : index
    %get3A_134 = arith.constant 0 : index
    %get3A_135 = vector.load %arg6[%get3A_132, %get3A_133, %get3A_134] : memref<8x128x128xf32, #tpu.memory_space<vmem>>, vector<1x128x128xf32>
    %get3A_136 = vector.shape_cast %get3A_135 : vector<1x128x128xf32> to vector<128x128xf32>
    %dot_general3A_137 = arith.constant dense<0.000000e+00> : vector<10000x128xf32>
    %dot_general3A_138 = tpu.matmul %concatenate3A, %get3A_136, %dot_general3A_137 {dimension_numbers = #tpu.dot_dimension_numbers<[1], [0], [0], [1], [0, 0, 1, 1], [], []>, transpose_lhs_hint = false} : vector<10000x128xf32>, vector<128x128xf32>, vector<10000x128xf32> -> vector<10000x128xf32>
    %mul3A_139 = arith.mulf %dot_general3A_131, %dot_general3A_138 : vector<10000x128xf32>
    %add3A_140 = arith.addf %add3A_124, %mul3A_139 : vector<10000x128xf32>
    %get3A_141 = arith.constant 0 : index
    %get3A_142 = arith.constant 0 : index
    %get3A_143 = vector.load %arg4[%get3A_141, %get3A_142] : memref<10000x1xi32, #tpu.memory_space<vmem>>, vector<10000x1xi32>
    %iota3A = tpu.iota {dimensions = array<i32: 1>} : vector<10000x128xi32>
    %eq3A = vector.broadcast %get3A_143 : vector<10000x1xi32> to vector<10000x128xi32>
    %eq3A_144 = arith.cmpi eq, %eq3A, %iota3A : vector<10000x128xi32>
    %convert_element_type3A = arith.extui %eq3A_144 : vector<10000x128xi1> to vector<10000x128xi32>
    %convert_element_type3A_145 = arith.sitofp %convert_element_type3A : vector<10000x128xi32> to vector<10000x128xf32>
    %broadcast_in_dim3A_146 = arith.constant 1.000000e+00 : f32
    %broadcast_in_dim3A_147 = vector.broadcast %broadcast_in_dim3A_146 : f32 to vector<10000x1xf32>
    %dot_general3A_148 = arith.constant dense<0.000000e+00> : vector<128x1xf32>
    %dot_general3A_149 = tpu.matmul %convert_element_type3A_145, %broadcast_in_dim3A_147, %dot_general3A_148 {dimension_numbers = #tpu.dot_dimension_numbers<[0], [0], [1], [1], [0, 1, 1, 1], [], []>, transpose_lhs_hint = false} : vector<10000x128xf32>, vector<10000x1xf32>, vector<128x1xf32> -> vector<128x1xf32>
    %max3A_150 = arith.constant 1.000000e+00 : f32
    %max3A_151 = vector.broadcast %max3A_150 : f32 to vector<128x1xf32>
    %max3A_152 = arith.maximumf %dot_general3A_149, %max3A_151 : vector<128x1xf32>
    %dot_general3A_153 = arith.constant dense<0.000000e+00> : vector<128x128xf32>
    %dot_general3A_154 = tpu.matmul %convert_element_type3A_145, %add3A_140, %dot_general3A_153 {dimension_numbers = #tpu.dot_dimension_numbers<[0], [0], [1], [1], [0, 1, 1, 1], [], []>, transpose_lhs_hint = false} : vector<10000x128xf32>, vector<10000x128xf32>, vector<128x128xf32> -> vector<128x128xf32>
    %div3A = vector.broadcast %max3A_152 : vector<128x1xf32> to vector<128x128xf32>
    %div3A_155 = arith.divf %dot_general3A_154, %div3A : vector<128x128xf32>
    %dot_general3A_156 = arith.constant dense<0.000000e+00> : vector<10000x128xf32>
    %dot_general3A_157 = tpu.matmul %convert_element_type3A_145, %div3A_155, %dot_general3A_156 {dimension_numbers = #tpu.dot_dimension_numbers<[1], [0], [0], [1], [0, 0, 1, 1], [], []>, transpose_lhs_hint = false} : vector<10000x128xf32>, vector<128x128xf32>, vector<10000x128xf32> -> vector<10000x128xf32>
    %get3A_158 = arith.constant 0 : index
    %get3A_159 = arith.constant 0 : index
    %get3A_160 = vector.load %arg10[%get3A_158, %get3A_159] : memref<1x128xf32, #tpu.memory_space<vmem>>, vector<1x128xf32>
    %mul3A_161 = vector.broadcast %get3A_160 : vector<1x128xf32> to vector<10000x128xf32>
    %mul3A_162 = arith.mulf %dot_general3A_157, %mul3A_161 : vector<10000x128xf32>
    %sub3A = arith.subf %add3A_140, %mul3A_162 : vector<10000x128xf32>
    %mul3A_163 = arith.mulf %sub3A, %sub3A : vector<10000x128xf32>
    %dot_general3A_164 = arith.constant dense<0.000000e+00> : vector<128x128xf32>
    %dot_general3A_165 = tpu.matmul %convert_element_type3A_145, %mul3A_163, %dot_general3A_164 {dimension_numbers = #tpu.dot_dimension_numbers<[0], [0], [1], [1], [0, 1, 1, 1], [], []>, transpose_lhs_hint = false} : vector<10000x128xf32>, vector<10000x128xf32>, vector<128x128xf32> -> vector<128x128xf32>
    %div3A_166 = vector.broadcast %max3A_152 : vector<128x1xf32> to vector<128x128xf32>
    %div3A_167 = arith.divf %dot_general3A_165, %div3A_166 : vector<128x128xf32>
    %add3A_168 = arith.constant 9.99999974E-6 : f32
    %add3A_169 = vector.broadcast %add3A_168 : f32 to vector<128x128xf32>
    %add3A_170 = arith.addf %div3A_167, %add3A_169 : vector<128x128xf32>
    %sqrt3A = math.sqrt %add3A_170 : vector<128x128xf32>
    %dot_general3A_171 = arith.constant dense<0.000000e+00> : vector<10000x128xf32>
    %dot_general3A_172 = tpu.matmul %convert_element_type3A_145, %sqrt3A, %dot_general3A_171 {dimension_numbers = #tpu.dot_dimension_numbers<[1], [0], [0], [1], [0, 0, 1, 1], [], []>, transpose_lhs_hint = false} : vector<10000x128xf32>, vector<128x128xf32>, vector<10000x128xf32> -> vector<10000x128xf32>
    %get3A_173 = arith.constant 0 : index
    %get3A_174 = arith.constant 0 : index
    %get3A_175 = vector.load %arg8[%get3A_173, %get3A_174] : memref<1x128xf32, #tpu.memory_space<vmem>>, vector<1x128xf32>
    %mul3A_176 = vector.broadcast %get3A_175 : vector<1x128xf32> to vector<10000x128xf32>
    %mul3A_177 = arith.mulf %mul3A_176, %sub3A : vector<10000x128xf32>
    %div3A_178 = arith.divf %mul3A_177, %dot_general3A_172 : vector<10000x128xf32>
    %get3A_179 = arith.constant 0 : index
    %get3A_180 = arith.constant 0 : index
    %get3A_181 = vector.load %arg9[%get3A_179, %get3A_180] : memref<1x128xf32, #tpu.memory_space<vmem>>, vector<1x128xf32>
    %add3A_182 = vector.broadcast %get3A_181 : vector<1x128xf32> to vector<10000x128xf32>
    %add3A_183 = arith.addf %div3A_178, %add3A_182 : vector<10000x128xf32>
    %max3A_184 = arith.constant 0.000000e+00 : f32
    %max3A_185 = vector.broadcast %max3A_184 : f32 to vector<10000x128xf32>
    %max3A_186 = arith.maximumf %add3A_183, %max3A_185 : vector<10000x128xf32>
    %swap3A = arith.constant 0 : index
    %swap3A_187 = arith.constant 0 : index
    %swap3A_188 = vector.load %arg11[%swap3A, %swap3A_187] : memref<10000x128xf32, #tpu.memory_space<vmem>>, vector<10000x128xf32>
    tpu.vector_store %arg11[%swap3A, %swap3A_187], %max3A_186 {strides = array<i32>} : memref<10000x128xf32, #tpu.memory_space<vmem>>, vector<10000x128xf32>,
    return
  }
}

</mosaic_0001>

<sc_bundles>
// kernel: kernel.5.cloned.1.call-start
scs
__scs_entry_jumppad:
0x0: {  	(pc) =	sbr.rel $0x88, $3  }
0x1: {  	(tag) =	ssettag $0x0;
	lr =	simm.s32 $0x1  }
0x2: {  	[smem:$0x3F97] =	sst lr;
	_ =	strace $0xD0000000  }
0x3: {  	_ = 	snop  }
0x4: {  	_ = 	snop  }
0x5: {  	_ = 	snop  }
0x6: {  	_ = 	snop  }
0x7: {  	_ = 	snop  }
__scs_overlays_trampoline_lowered:
0x8: {  	[smem:$0x3FA6] =	sst s0  }
0x9: {  	[smem:$0x3FA7] =	sst s1  }
0xa: {  	[smem:$0x3FA8] =	sst s2  }
0xb: {  	[smem:$0x3FA9] =	sst s3  }
0xc: {  	[smem:$0x3FAA] =	sst s4  }
0xd: {  	[smem:$0x3FAB] =	sst s5  }
0xe: {  	[smem:$0x3FAC] =	sst s6  }
0xf: {  	[smem:$0x3FAD] =	sst s7  }
0x10: {  	[smem:$0x3FAE] =	sst s8  }
0x11: {  	[smem:$0x3FAF] =	sst s9;
	s0 =	simm.s32 @!p0 $0x0  }
0x12: {  	s1 =	sld [smem:$0x3F95];
	s0 =	simm.s32 @p0 $0x1  }
0x13: {  	[smem:$0x3FB0] =	sst s0;
	s0 =	simm.s32 @!p1 $0x0  }
0x14: {  	s2 =	sld [smem:$0x3F94];
	s0 =	simm.s32 @p1 $0x1  }
0x15: {  	[smem:$0x3FB1] =	sst s0;
	s0 =	simm.s32 @!p2 $0x0  }
0x16: {  	s3 =	sld [smem:$0x3FDB];
	s0 =	simm.s32 @p2 $0x1  }
0x17: {  	s4 =	simm.s32 $0x1BF5;
	[smem:$0x3FB3] =	sst s0  }
0x18: {  	s0 =	sld [smem:$0x3F96];
	_ =	swait.ge [sflag:s4], $0x0  }
0x19: {  	s7 =	sld [smem:$0x3F97]  }
0x1a: {  	s8 =	sadd.s32 $0xFFFFE003, lr  }
0x1b: {  	s9 =	sadd.s32 $0xFFFFFEF7, lr;
	s5 =	simm.s32 $0xFFFFFFFF;
	p2 =	slt.u32 s8, $0xFFFFF086  }
0x1c: {  	p1 =	slt.u32 s9, $0xF7A;
	s5 =	simm.s32 @!p2 $0x0  }
0x1d: {  	s5 =	simm.s32 @p1 $0x1;
	p0 =	seq.s32 s7, s2  }
0x1e: {  	s7 =	smul.u32 @!p0 $0xF7A, s2;
	p2 =	seq.s32 @!p0 s5, $0x0  }
0x1f: {  	s9 =	smul.u32 $0xF7A, s1;
	s8 =	simm.s32 @!p0 $0x1BF5;
	p2 =	por !p2, p0  }
0x20: {  	[sflag:s8] =	ssyncset.s32 @!p0 $0xFFFFF086;
	s6 =	sadd.s32 @!p0 s3, s7;
	s7 =	simm.s32 @!p0 $0x108  }
0x21: {  	s3 =	sadd.s32 s3, s9;
	s6 =	sadd.s32 @!p0 $0x88, s6;
	s7 =	simm.s32 @p2 $0x1082  }
0x22: {  	[simem:s7], [sflag:s8] =	dma.local @!p0 [hbm:s6], $0xF7A  }
0x23: {  	s9 =	sor.u32 $0xD0000000, s2;
	s6 =	simm.s32 $0x108;
	_ =	swait.ge @!p0 [sflag:s8], $0x0  }
0x24: {  	s3 =	sadd.s32 $0x88, s3;
	s6 =	simm.s32 @!p1 $0x1082;
	[sflag:s4] =	ssyncset.s32 $0xFFFFF086  }
0x25: {  	[simem:s6], [sflag:s4] =	dma.local [hbm:s3], $0xF7A  }
0x26: {  	[smem:$0x3F97] =	sst s1;
	(tag) =	ssettag s2;
	_ =	strace s9  }
0x27: {  	s1 =	sld [smem:$0x3FA7]  }
0x28: {  	s2 =	sld [smem:$0x3FA8]  }
0x29: {  	s4 =	sld [smem:$0x3FAA]  }
0x2a: {  	p0 =	seq.s32 s5, $0x0;
	s5 =	sld [smem:$0x3FAB]  }
0x2b: {  	s6 =	sld [smem:$0x3FAC]  }
0x2c: {  	s7 =	sld [smem:$0x3FAD]  }
0x2d: {  	s3 =	simm.s32 $0x108;
	s8 =	sld [smem:$0x3FAE]  }
0x2e: {  	s3 =	simm.s32 @!p0 $0x1082;
	s9 =	sld [smem:$0x3FAF]  }
0x2f: {  	lr =	sadd.s32 s0, s3;
	s0 =	sld [smem:$0x3FA6]  }
0x30: {  	s3 =	sld [smem:$0x3FA9]  }
0x31: {  	[smem:$0x3FB2] =	sst s10  }
0x32: {  	s10 =	sld [smem:$0x3FB0];
	_ =	sdelay $0x3  }
0x33: {  	p0 =	seq.s32 s10, $0x1;
	s10 =	sld [smem:$0x3FB2];
	_ =	sdelay $0x3  }
0x34: {  	[smem:$0x3FB2] =	sst s10  }
0x35: {  	s10 =	sld [smem:$0x3FB1];
	_ =	sdelay $0x3  }
0x36: {  	p1 =	seq.s32 s10, $0x1;
	s10 =	sld [smem:$0x3FB2];
	_ =	sdelay $0x3  }
0x37: {  	[smem:$0x3FB2] =	sst s10  }
0x38: {  	s10 =	sld [smem:$0x3FB3]  }
0x39: {  	_ = 	snop;
	(pc) =	sbr.ind lr, $3  }
0x3a: {  	_ = 	snop  }
0x3b: {  	_ = 	snop  }
0x3c: {  	p2 =	seq.s32 s10, $0x1;
	s10 =	sld [smem:$0x3FB2]  }
0x3d: {  	_ =	shalt  }
0x3e: {  	_ =	shalt  }
0x3f: {  	_ =	shalt  }
0x40: {  	_ =	shalt  }
0x41: {  	_ =	shalt  }
0x42: {  	_ =	shalt  }
0x43: {  	_ =	shalt  }
0x44: {  	_ =	shalt  }
0x45: {  	_ =	shalt  }
0x46: {  	_ =	shalt  }
0x47: {  	_ =	shalt  }
0x48: {  	_ =	shalt  }
0x49: {  	_ =	shalt  }
0x4a: {  	_ =	shalt  }
0x4b: {  	_ =	shalt  }
0x4c: {  	_ =	shalt  }
0x4d: {  	_ =	shalt  }
0x4e: {  	_ =	shalt  }
0x4f: {  	_ =	shalt  }
0x50: {  	_ =	shalt  }
0x51: {  	_ =	shalt  }
0x52: {  	_ =	shalt  }
0x53: {  	_ =	shalt  }
0x54: {  	_ =	shalt  }
0x55: {  	_ =	shalt  }
0x56: {  	_ =	shalt  }
0x57: {  	_ =	shalt  }
0x58: {  	_ =	shalt  }
0x59: {  	_ =	shalt  }
0x5a: {  	_ =	shalt  }
0x5b: {  	_ =	shalt  }
0x5c: {  	_ =	shalt  }
0x5d: {  	_ =	shalt  }
0x5e: {  	_ =	shalt  }
0x5f: {  	_ =	shalt  }
0x60: {  	_ =	shalt  }
0x61: {  	_ =	shalt  }
0x62: {  	_ =	shalt  }
0x63: {  	_ =	shalt  }
0x64: {  	_ =	shalt  }
0x65: {  	_ =	shalt  }
0x66: {  	_ =	shalt  }
0x67: {  	_ =	shalt  }
0x68: {  	_ =	shalt  }
0x69: {  	_ =	shalt  }
0x6a: {  	_ =	shalt  }
0x6b: {  	_ =	shalt  }
0x6c: {  	_ =	shalt  }
0x6d: {  	_ =	shalt  }
0x6e: {  	_ =	shalt  }
0x6f: {  	_ =	shalt  }
0x70: {  	_ =	shalt  }
0x71: {  	_ =	shalt  }
0x72: {  	_ =	shalt  }
0x73: {  	_ =	shalt  }
0x74: {  	_ =	shalt  }
0x75: {  	_ =	shalt  }
0x76: {  	_ =	shalt  }
0x77: {  	_ =	shalt  }
0x78: {  	_ =	shalt  }
0x79: {  	_ =	shalt  }
0x7a: {  	_ =	shalt  }
0x7b: {  	_ =	shalt  }
0x7c: {  	_ =	shalt  }
0x7d: {  	_ =	shalt  }
0x7e: {  	_ =	shalt  }
0x7f: {  	_ =	shalt  }
0x80: {  	_ =	shalt  }
0x81: {  	_ =	shalt  }
0x82: {  	_ =	shalt  }
0x83: {  	_ =	shalt  }
0x84: {  	_ =	shalt  }
0x85: {  	_ =	shalt  }
0x86: {  	_ =	shalt  }
0x87: {  	_ =	shalt  }
.Lfunc_end0:
.L_simem_size_0:
called_computation_lowered:
.L_overlay_start_0:
0x88: {  	s2 =	sld [smem:$0x3FD9]  }
0x89: {  	s3 =	sld [smem:$0x3FFE];
	_ =	sdelay $0x1  }
0x8a: {  	s1 =	srdreg.scid  }
0x8b: {  	s0 =	sand.u32 $0x1, s1  }
0x8c: {  	s17 =	sshll.u32 s0, $0xA;
	s2 =	sadd.s32 s3, s2  }
0x8d: {  	s2 =	sadd.s32 s2, s17  }
0x8e: {  	[smem:$0x3FBE] =	sst s2  }
0x8f: {  	_ = 	snop  }
0x90: {  	s2 =	sld [smem:$0x3FD0];
	(tm) =	ssettm $0x1  }
0x91: {  	s18 =	sld [smem:$0x3FFB];
	_ =	sdelay $0x3  }
0x92: {  	_ =	strace s18  }
0x93: {  	s3 =	sld [smem:$0x3FFC];
	_ =	sdelay $0x3  }
0x94: {  	_ =	strace s3  }
0x95: {  	s3 =	sld [smem:$0x3FFD];
	_ =	sdelay $0x3  }
0x96: {  	_ =	strace s3  }
0x97: {  	_ =	strace $0x8FFFFFFF  }
0x98: {  	s19 =	sld [smem:$0x3FDB];
	_ =	sdelay $0x1  }
0x99: {  	s4 =	simm.s32 $_scs_section_size  }
0x9a: {  	s5 =	simm.s32 $_size__tile_overlayer_lowered;
	s6 =	simm.s32 $_tile_overlayer_lowered  }
0x9b: {  	s22 =	simm.s32 $0x1BFF;
	s21 =	sshll.u32 s6, $0x1;
	s3 =	sadd.s32 s4, s19  }
0x9c: {  	s7 =	simm.s32 $0x0;
	s20 =	sshll.u32 s5, $0x1;
	s5 =	sadd.s32 s21, s3  }
0x9d: {  	[timem:s7], [sflag:s22] =	dma.local [hbm:s5], s20  }
0x9e: {  	_ =	swait.ge [sflag:s22], s20  }
0x9f: {  	s4 =	ssub.s32 $0x0, s20;
	[sflag:s22] =	ssyncset.done $0x0  }
0xa0: {  	[sflag:s22] =	ssyncadd.s32 s4;
	_ =	sdelay $0x1  }
0xa1: {  	s23 =	simm.s32 $0x1B8B  }
0xa2: {  	_ =	swait.ge [sflag:s23], $0x1  }
0xa3: {  	[sflag:s23] =	ssyncset.done $0x0  }
0xa4: {  	s25 =	simm.s32 $0x1B8E;
	s24 =	sld [smem:$0x3FFE];
	[sflag:s23] =	ssyncadd.s32 $0xFFFFFFFF  }
0xa5: {  	s26 =	simm.s32 $execute0_lowered;
	[smem:$0x3FD2] =	sst s25  }
0xa6: {  	s5 =	sshll.u32 s26, $0x1;
	_ =	strace $0x80000046;
	[dreg:$0x1] =	wrdreg $0xFFFFFFFF  }
0xa7: {  	s28 =	simm.s32 $_size_execute0_lowered;
	s3 =	sadd.s32 s3, s5;
	[dreg:$0x0] =	wrdreg $0x0  }
0xa8: {  	s5 =	sshll.u32 s28, $0x1;
	[dreg:$0x2] =	wrdreg s3  }
0xa9: {  	[dreg:$0x3] =	wrdreg s5  }
0xaa: {  	[dreg:$0x4] =	wrdreg $0xC0  }
0xab: {  	_ =	task [dreg:s7], $0x5FFFF  }
0xac: {  	[dreg:$0x1] =	wrdreg $0xFFFFFFFF  }
0xad: {  	[dreg:$0x0] =	wrdreg $0x60  }
0xae: {  	[dreg:$0x2] =	wrdreg s24  }
0xaf: {  	[dreg:$0x3] =	wrdreg s2  }
0xb0: {  	[dreg:$0x4] =	wrdreg $0x9  }
0xb1: {  	_ =	task.clear_ibuf [dreg:s7], $0x5FFFF;
	_ =	strace $0x90000046  }
0xb2: {  	s29 =	simm.s32 $0x9;
	_ =	strace $0x80000048  }
0xb3: {  	_ =	swait.ge [sflag:s29], $0x1  }
0xb4: {  	[sflag:s29] =	ssyncadd.s32 $0xFFFFFFFF  }
0xb5: {  	_ =	strace $0x90000048  }
0xb6: {  	_ =	sfence  }
0xb7: {  	s30 =	sld [smem:$0x0];
	_ =	sdelay $0x2  }
0xb8: {  	s31 =	sshll.u32 s1, $0xD;
	s1 =	sshrl.u32 s1, $0x2  }
0xb9: {  	s3 =	sand.u32 $0x4000, s31;
	s1 =	sadd.s32 s1, s30  }
0xba: {  	s0 =	sor.u32 s3, s0;
	s1 =	sshll.u32 s1, $0x11  }
0xbb: {  	s0 =	sor.u32 s1, s0  }
0xbc: {  	s0 =	sadd.s32 $0x8F2B, s0  }
0xbd: {  	[sflag:s0] =	ssyncadd.remote.s32 $0x1  }
0xbe: {  	_ =	sfence.sel $0xFFFF  }
0xbf: {  	[dreg:$0x0] =	wrdreg $0xFFFFFFFF;
	(pc) =	sbr.abs _section_cstart, $3  }
0xc0: {  	[dreg:$0x1] =	wrdreg $0xFFFFFFFF  }
0xc1: {  	_ =	task.clear_ibuf [dreg:s7], $0x2FFFF;
	_ =	strace $0x9FFFFFFF  }
0xc2: {  	(tm) =	ssettm $0x7FFFFFFF  }
0xc3: {  	_ =	shalt  }
tec
execute0_lowered:
.L_overlay_start_1:
0x0: {  	(tag) =	ssettag $0x1  }
0x1: {  	v0 =	vimm.s32 $0xEDCBA987;
	s5 =	rddreg [dreg:$0x0];
	v1 =	vimm.s32 $0x65432100  }
0x2: {  	s6 =	rddreg [dreg:$0x1];
	v2 =	vimm.s32 $0xDCBA9876;
	v3 =	vimm.s32 $0x54321000;
	v0 =	vunpack.c.l.s4.s8 v0  }
0x3: {  	s0 =	rddreg [dreg:$0x2];
	s1 =	simm.s32 $0x0;
	v4 =	vimm.s32 $0xE40000;
	v5 =	vimm.s32 $0xBA987654;
	v1 =	vunpack.c.l.s4.s8 v1  }
0x4: {  	s3 =	srdreg.scid;
	s2 =	stileid.u32;
	v7 =	vimm.s32 $0x87654321;
	vm0 =	vcmask $0x3F30;
	s14 =	simm.s32 $0x1;
	v0 =	vunpack.c.0.s8.s32 v0  }
0x5: {  	s15 =	simm.s32 $0x2780;
	s16 =	simm.s32 $0xED00;
	s17 =	simm.s32 $0x13B80;
	v2 =	vunpack.c.l.s4.s8 v2;
	v4 =	vunpack.c.l.s2.s4 v4;
	v1 =	vunpack.c.0.s8.s32 v1  }
0x6: {  	vm1 =	vcmask $0x3F08;
	s18 =	simm.s32 $0x4F00;
	s19 =	simm.s32 $0x9E00;
	s20 =	simm.s32 $0x7680;
	v3 =	vunpack.c.l.s4.s8 v3;
	v0 =	vand.u32 $0xF, v0  }
0x7: {  	s21 =	simm.s32 $0xC580;
	s22 =	simm.s32 $0x0;
	[smem:$0x7FF] =	sst s1;
	v4 =	vunpack.c.l.s4.s8 v4;
	v0 =	vcombine.low v1, v0;
	v1 =	vunpack.c.0.s8.s32 v2  }
0x8: {  	vm2 =	vcmask $0x3F10;
	s7 =	sand.u32 $0x1, s3;
	s28 =	sshll.u32 s2, $0x9;
	s4 =	sshrl.u32 s2, $0x1;
	v7 =	vunpack.c.l.s4.s8 v7;
	v3 =	vunpack.c.0.s8.s32 v3  }
0x9: {  	s8 =	sshll.u32 s7, $0x8;
	s9 =	smul.u32 $0x13C00, s4;
	s29 =	sand.u32 $0x200, s28;
	v4 =	vunpack.c.0.s8.s32 v4;
	v2 =	vunpack.c.l.s4.s8 v5;
	v1 =	vand.u32 $0xF, v1  }
0xa: {  	s3 =	sadd.s32 $0xB400, s5;
	s30 =	sadd.s32 $0x15200, s5;
	s8 =	sor.u32 s8, s29;
	v5 =	vimm.s32 $0x32100000;
	v1 =	vcombine.low v3, v1;
	v3 =	vimm.s32 $0x7060504  }
0xb: {  	s12 =	sadd.s32 $0x28E00, s5;
	s7 =	ssub.s32 $0x2, s7;
	s8 =	sor.u32 s9, s8;
	v5 =	vunpack.c.l.s4.s8 v5;
	v6 =	vunpack.c.0.s8.s32 v3;
	v3 =	vimm.s32 $0xFFEDCBA9  }
0xc: {  	vm3 =	vcmask $0x3F20;
	_ =	strace $0x80000047;
	s10 =	sshrl.u32 s7, $0x1;
	s11 =	sshrl.u32 s8, $0x3;
	v2 =	vunpack.c.0.s8.s32 v2;
	v8 =	vunpack.c.l.s4.s8 v3  }
0xd: {  	s4 =	sadd.s32 $0x1600, s5;
	v7 =	vunpack.c.0.s8.s32 v7;
	s13 =	ssub.s32 s7, s10;
	s31 =	sor.u32 $0x10, s11;
	v4 =	vand.u32 $0x3, v4;
	v5 =	vunpack.c.0.s8.s32 v5  }
0xe: {  	s5 =	sadd.s32 s6, s11;
	s7 =	sadd.s32 s30, s11;
	s9 =	sadd.s32 s12, s11;
	v2 =	vand.u32 $0xF, v2;
	v4 =	vsel vm0, v6, v4;
	v6 =	vunpack.c.0.s8.s32 v8  }
0xf: {  	vm4 =	vcmask $0x3F3C;
	s11 =	smax.u32 s13, $0x1;
	s13 =	simm.s32 $0x400;
	s6 =	sadd.s32 s6, s31;
	v2 =	vcombine.low v5, v2;
	v3 =	vimm.f32 $0.0e+00  }
0x10: {  	s8 =	sadd.s32 s30, s31;
	s10 =	sadd.s32 s12, s31;
	s12 =	simm.s32 $0x80;
	v5 =	vimm.f32 $-Inf;
	vm0 =	vcmask $0x3F04;
	v6 =	vcombine.low v7, v6  }
.LBB2_1:
0x11: {  	[tilespmem:s1], [sflag:$0x1] =	stream.strided.gather [hbm4b:s5+s12], $0x2780, s13, s12, $0x38;
	[tilespmem:$0x18A00] =	vst v63  }
0x12: {  	_ =	swait.ge [sflag:s14], $0x2780  }
0x13: {  	[sflag:s14] =	ssyncset.done $0x0  }
0x14: {  	[sflag:s14] =	ssyncadd.s32 $0xFFFFD880  }
0x15: {  	[tilespmem:s15], [sflag:$0x1] =	stream.strided.gather [hbm4b:s6+s12], $0x2780, s13, s12, $0x38;
	[tilespmem:$0x18A00] =	vst v63  }
0x16: {  	_ =	swait.ge [sflag:s14], $0x2780  }
0x17: {  	[sflag:s14] =	ssyncset.done $0x0  }
0x18: {  	s23 =	simm.s32 $0x40;
	s24 =	simm.s32 $0x0;
	[sflag:s14] =	ssyncadd.s32 $0xFFFFD880  }
.LBB2_2:
0x19: {  	p0 =	sne.s32 s23, $0x9C00;
	[tilespmem:s24+$0xC580] =	vst v5;
	s25 =	smov.u32 s23;
	s23 =	sadd.s32 $0x40, s23  }
.Ltmp0:
0x1a: {  	[tilespmem:s24+$0x7680] =	vst v3;
	(pc) =	sbr.rel @p0 .LBB2_2-.Ltmp0, $3  }
0x1b: {  	[tilespmem:s24+$0x4F00] =	vst v3  }
0x1c: {  	[tilespmem:s24+$0x9E00] =	vst v5;
	_ =	sdelay $0x1  }
0x1d: {  	s24 =	sshra.s32 s25, $0x2  }
0x1e: {  	[tilespmem:s24+$0xC580] =	vst v5  }
0x1f: {  	[tilespmem:s24+$0x7680] =	vst v3  }
0x20: {  	[tilespmem:s24+$0x4F00] =	vst v3  }
0x21: {  	s23 =	simm.s32 $0x0;
	[tilespmem:s24+$0x9E00] =	vst v5;
	s24 =	simm.s32 $0x0  }
.LBB2_4:
0x22: {  	s25 =	smul.u32 $0x9C4, s24;
	_ =	sdelay $0x1  }
0x23: {  	s26 =	sadd.s32 s3, s25  }
0x24: {  	[tilespmem:s16], [sflag:$0x1] =	stream.linear.gather [hbm4b:s26+s23], $0x4E20, $0x38;
	[tilespmem:$0x18A00] =	vst v63  }
0x25: {  	_ =	swait.ge [sflag:s14], $0x4E20  }
0x26: {  	[sflag:s14] =	ssyncset.done $0x0  }
0x27: {  	s25 =	sadd.s32 s4, s25;
	[sflag:s14] =	ssyncadd.s32 $0xFFFFB1E0  }
0x28: {  	[tilespmem:s17], [sflag:$0x1] =	stream.linear.gather [hbm4b:s25+s23], $0x4E20, $0x38;
	[tilespmem:$0x18A00] =	vst v63  }
0x29: {  	_ =	swait.ge [sflag:s14], $0x4E20  }
0x2a: {  	[sflag:s14] =	ssyncset.done $0x0  }
0x2b: {  	s31 =	simm.s32 $0x0;
	[sflag:s14] =	ssyncadd.s32 $0xFFFFB1E0  }
0x2c: {  	v7 =	vld [tilespmem:s31+$0x13B80]  }
0x2d: {  	v8 =	vld [tilespmem:s31+$0xED00];
	_ =	sdelay $0x3  }
0x2e: {  	v7 =	vxor.u32 $0x80000000, v7  }
0x2f: {  	(xrf1) =	vsort.ascd.msk.u32 $0xffff, v7, v8;
	_ =	sdelay $0xd  }
0x30: {  	v7, v8, _ =	vpop (xrf1);
	_ =	sdelay $0x3  }
0x31: {  	v9 =	vld.idx.msk [tilespmem:v8+s1+$0x0], $0xffff;
	_ =	sdelay $0x2  }
0x32: {  	v7 =	vxor.u32 $0x80000000, v7  }
0x33: {  	v10 =	vperm.xlane v7, v0  }
0x34: {  	v11 =	vperm.xlane v9, v0  }
0x35: {  	vm5 =	veq.s32 v10, v7  }
0x36: {  	vm6 =	vmand vm5, vm0;
	v10 =	vmax.f32 v9, v11  }
0x37: {  	v11 =	vperm.xlane v7, v1;
	v10 =	vsel vm6, v10, v9  }
0x38: {  	v12 =	vperm.xlane v10, v1  }
0x39: {  	vm5 =	veq.s32 v11, v7  }
0x3a: {  	vm7 =	vmand vm5, vm1;
	v11 =	vmax.f32 v10, v12  }
0x3b: {  	v62 =	vperm.xlane v7, v2;
	v10 =	vsel vm7, v11, v10  }
0x3c: {  	v11 =	vperm.xlane v7, v6;
	v13 =	vperm.xlane v10, v2  }
0x3d: {  	vm5 =	veq.s32 v62, v7  }
0x3e: {  	[tilespmem:v7+s18+$0x0] =	vst.idx.add.f32.msk $0xffff, v9;
	vm9 =	vmand vm5, vm2;
	vm8 =	vne.s32 v11, v7;
	v9 =	vmax.f32 v10, v13  }
0x3f: {  	v63 =	vld.idx.msk [tilespmem:v7+s19+$0x0], $0xffff;
	v11 =	vperm.xlane v7, v4;
	vm5 =	vmor vm8, vm4;
	v9 =	vsel vm9, v9, v10  }
0x40: {  	v10 =	vperm.xlane v9, v4  }
0x41: {  	vm15 =	veq.s32 v11, v7  }
0x42: {  	vm8 =	vmand vm15, vm3;
	v10 =	vmax.f32 v9, v10  }
0x43: {  	v9 =	vsel vm8, v10, v9  }
0x44: {  	v9 =	vmax.f32 v63, v9  }
0x45: {  	[tilespmem:v7+s19+$0x0] =	vst.idx.msk vm5, v9  }
0x46: {  	v8 =	vld.idx.msk [tilespmem:v8+s15+$0x0], $0xffff;
	_ =	sdelay $0x4  }
0x47: {  	v9 =	vperm.xlane v8, v0;
	_ =	sdelay $0x1  }
0x48: {  	v9 =	vmax.f32 v8, v9  }
0x49: {  	v9 =	vsel vm6, v9, v8  }
0x4a: {  	v10 =	vperm.xlane v9, v1;
	_ =	sdelay $0x1  }
0x4b: {  	v10 =	vmax.f32 v9, v10  }
0x4c: {  	v9 =	vsel vm7, v10, v9  }
0x4d: {  	v10 =	vperm.xlane v9, v2;
	_ =	sdelay $0x1  }
0x4e: {  	[tilespmem:v7+s20+$0x0] =	vst.idx.add.f32.msk $0xffff, v8;
	v8 =	vmax.f32 v9, v10  }
0x4f: {  	v10 =	vld.idx.msk [tilespmem:v7+s21+$0x0], $0xffff;
	v8 =	vsel vm9, v8, v9  }
0x50: {  	v9 =	vperm.xlane v8, v4;
	_ =	sdelay $0x1  }
0x51: {  	v9 =	vmax.f32 v8, v9  }
0x52: {  	v8 =	vsel vm8, v9, v8  }
0x53: {  	s26 =	simm.s32 $0x80;
	s25 =	simm.s32 $0x40;
	v8 =	vmax.f32 v10, v8  }
.LBB2_5:
0x54: {  	p0 =	sne.s32 s26, $0x13840  }
0x55: {  	s28 =	sshra.s32 s25, $0x2;
	[tilespmem:v7+s21+$0x0] =	vst.idx.msk vm5, v8;
	s25 =	smov.u32 s26;
	s26 =	sadd.s32 $0x40, s26  }
0x56: {  	v7 =	vld [tilespmem:s28+$0x13B80]  }
0x57: {  	v8 =	vld [tilespmem:s28+$0xED00];
	_ =	sdelay $0x3  }
0x58: {  	v7 =	vxor.u32 $0x80000000, v7  }
0x59: {  	(xrf1) =	vsort.ascd.msk.u32 $0xffff, v7, v8;
	_ =	sdelay $0xd  }
0x5a: {  	v7, v8, _ =	vpop (xrf1);
	_ =	sdelay $0x4  }
0x5b: {  	v9 =	vld.idx.msk [tilespmem:v8+s1+$0x0], $0xffff;
	_ =	sdelay $0x3  }
0x5c: {  	v7 =	vxor.u32 $0x80000000, v7  }
0x5d: {  	v10 =	vperm.xlane v7, v0;
	v11 =	vperm.xlane v7, v2  }
0x5e: {  	v12 =	vperm.xlane v7, v6;
	v13 =	vperm.xlane v9, v0  }
0x5f: {  	vm5 =	veq.s32 v10, v7;
	v10 =	vperm.xlane v7, v1;
	vm8 =	veq.s32 v11, v7  }
0x60: {  	vm6 =	vmand vm5, vm0;
	vm5 =	vne.s32 v12, v7;
	v11 =	vmax.f32 v9, v13  }
0x61: {  	vm7 =	veq.s32 v10, v7;
	[tilespmem:v7+s18+$0x0] =	vst.idx.add.f32.msk $0xffff, v9;
	v9 =	vsel vm6, v11, v9  }
0x62: {  	v10 =	vperm.xlane v7, v4;
	v11 =	vperm.xlane v9, v1;
	_ =	sdelay $0x1  }
0x63: {  	vm7 =	vmand vm7, vm1;
	vm9 =	veq.s32 v10, v7;
	v10 =	vmax.f32 v9, v11  }
0x64: {  	v9 =	vsel vm7, v10, v9  }
0x65: {  	v10 =	vperm.xlane v9, v2;
	_ =	sdelay $0x1  }
0x66: {  	vm8 =	vmand vm8, vm2;
	v11 =	vld.idx.msk [tilespmem:v7+s19+$0x0], $0xffff;
	v10 =	vmax.f32 v9, v10  }
0x67: {  	vm5 =	vmor vm5, vm4;
	v9 =	vsel vm8, v10, v9  }
0x68: {  	v10 =	vperm.xlane v9, v4;
	_ =	sdelay $0x1  }
0x69: {  	vm9 =	vmand vm9, vm3;
	v10 =	vmax.f32 v9, v10  }
0x6a: {  	v9 =	vsel vm9, v10, v9  }
0x6b: {  	v9 =	vmax.f32 v11, v9  }
0x6c: {  	[tilespmem:v7+s19+$0x0] =	vst.idx.msk vm5, v9  }
0x6d: {  	v8 =	vld.idx.msk [tilespmem:v8+s15+$0x0], $0xffff;
	_ =	sdelay $0x5  }
0x6e: {  	v9 =	vperm.xlane v8, v0;
	[tilespmem:v7+s20+$0x0] =	vst.idx.add.f32.msk $0xffff, v8  }
0x6f: {  	v10 =	vld.idx.msk [tilespmem:v7+s21+$0x0], $0xffff  }
0x70: {  	v9 =	vmax.f32 v8, v9  }
0x71: {  	v8 =	vsel vm6, v9, v8  }
0x72: {  	v9 =	vperm.xlane v8, v1;
	_ =	sdelay $0x1  }
0x73: {  	v9 =	vmax.f32 v8, v9  }
0x74: {  	v8 =	vsel vm7, v9, v8  }
0x75: {  	v9 =	vperm.xlane v8, v2;
	_ =	sdelay $0x1  }
0x76: {  	v9 =	vmax.f32 v8, v9  }
0x77: {  	v8 =	vsel vm8, v9, v8  }
.Ltmp1:
0x78: {  	v9 =	vperm.xlane v8, v4;
	(pc) =	sbr.rel @p0 .LBB2_5-.Ltmp1, $4  }
0x79: {  	_ = 	snop  }
0x7a: {  	v9 =	vmax.f32 v8, v9  }
0x7b: {  	v8 =	vsel vm9, v9, v8  }
0x7c: {  	v8 =	vmax.f32 v10, v8  }
0x7d: {  	_ =	sdelay $0x4  }
0x7e: {  	s25 =	sshra.s32 s25, $0x2;
	[tilespmem:v7+s21+$0x0] =	vst.idx.msk vm5, v8  }
0x7f: {  	v7 =	vld [tilespmem:s25+$0x13B80]  }
0x80: {  	v8 =	vld [tilespmem:s25+$0xED00];
	_ =	sdelay $0x3  }
0x81: {  	v7 =	vxor.u32 $0x80000000, v7  }
0x82: {  	(xrf1) =	vsort.ascd.msk.u32 $0xffff, v7, v8;
	_ =	sdelay $0xd  }
0x83: {  	v7, v8, _ =	vpop (xrf1);
	_ =	sdelay $0x3  }
0x84: {  	v9 =	vld.idx.msk [tilespmem:v8+s1+$0x0], $0xffff;
	_ =	sdelay $0x2  }
0x85: {  	v7 =	vxor.u32 $0x80000000, v7  }
0x86: {  	v10 =	vperm.xlane v7, v0  }
0x87: {  	v11 =	vperm.xlane v9, v0  }
0x88: {  	vm5 =	veq.s32 v10, v7  }
0x89: {  	vm5 =	vmand vm5, vm0;
	v53 =	vmax.f32 v9, v11  }
0x8a: {  	v54 =	vperm.xlane v7, v1;
	v10 =	vsel vm5, v53, v9  }
0x8b: {  	v12 =	vperm.xlane v10, v1  }
0x8c: {  	vm6 =	veq.s32 v54, v7  }
0x8d: {  	vm6 =	vmand vm6, vm1;
	v55 =	vmax.f32 v10, v12  }
0x8e: {  	v56 =	vperm.xlane v7, v2;
	v10 =	vsel vm6, v55, v10  }
0x8f: {  	v57 =	vperm.xlane v7, v6;
	v13 =	vperm.xlane v10, v2  }
0x90: {  	vm7 =	veq.s32 v56, v7  }
0x91: {  	vm8 =	vne.s32 v57, v7;
	vm7 =	vmand vm7, vm2;
	[tilespmem:v7+s18+$0x0] =	vst.idx.add.f32.msk $0xffff, v9;
	v58 =	vmax.f32 v10, v13  }
0x92: {  	v59 =	vperm.xlane v7, v4;
	vm8 =	vmor vm8, vm4;
	v60 =	vld.idx.msk [tilespmem:v7+s19+$0x0], $0xffff;
	v9 =	vsel vm7, v58, v10  }
0x93: {  	v10 =	vperm.xlane v9, v4  }
0x94: {  	vm9 =	veq.s32 v59, v7  }
0x95: {  	vm9 =	vmand vm9, vm3;
	v10 =	vmax.f32 v9, v10  }
0x96: {  	v9 =	vsel vm9, v10, v9  }
0x97: {  	v9 =	vmax.f32 v60, v9  }
0x98: {  	[tilespmem:v7+s19+$0x0] =	vst.idx.msk vm8, v9  }
0x99: {  	v8 =	vld.idx.msk [tilespmem:v8+s15+$0x0], $0xffff;
	_ =	sdelay $0x4  }
0x9a: {  	v61 =	vperm.xlane v8, v0;
	_ =	sdelay $0x1  }
0x9b: {  	v9 =	vmax.f32 v8, v61  }
0x9c: {  	v9 =	vsel vm5, v9, v8  }
0x9d: {  	v62 =	vperm.xlane v9, v1;
	_ =	sdelay $0x1  }
0x9e: {  	v10 =	vmax.f32 v9, v62  }
0x9f: {  	v9 =	vsel vm6, v10, v9  }
0xa0: {  	v10 =	vperm.xlane v9, v2;
	_ =	sdelay $0x1  }
0xa1: {  	[tilespmem:v7+s20+$0x0] =	vst.idx.add.f32.msk $0xffff, v8;
	v8 =	vmax.f32 v9, v10  }
0xa2: {  	s24 =	sadd.s32 $0x1, s24;
	v63 =	vld.idx.msk [tilespmem:v7+s21+$0x0], $0xffff;
	v8 =	vsel vm7, v8, v9  }
0xa3: {  	p0 =	sne.s32 s24, $0x10;
	v9 =	vperm.xlane v8, v4  }
.Ltmp2:
0xa4: {  	_ = 	snop;
	(pc) =	sbr.rel @p0 .LBB2_4-.Ltmp2, $4  }
0xa5: {  	v9 =	vmax.f32 v8, v9  }
0xa6: {  	v8 =	vsel vm9, v9, v8  }
0xa7: {  	v8 =	vmax.f32 v63, v8  }
0xa8: {  	[tilespmem:v7+s21+$0x0] =	vst.idx.msk vm8, v8  }
0xa9: {  	[hbm4b:s7+s12] =	stream.strided.scatter [tilespmem:s18], [sflag:$0x1], $0x2780, s13, s12, $0x38;
	[tilespmem:$0x18A00] =	vst v63  }
0xaa: {  	_ =	swait.ge [sflag:s14], $0x2780  }
0xab: {  	[sflag:s14] =	ssyncset.done $0x0  }
0xac: {  	[sflag:s14] =	ssyncadd.s32 $0xFFFFD880  }
0xad: {  	[hbm4b:s8+s12] =	stream.strided.scatter [tilespmem:s20], [sflag:$0x1], $0x2780, s13, s12, $0x38;
	[tilespmem:$0x18A00] =	vst v63  }
0xae: {  	_ =	swait.ge [sflag:s14], $0x2780  }
0xaf: {  	[sflag:s14] =	ssyncset.done $0x0  }
0xb0: {  	[sflag:s14] =	ssyncadd.s32 $0xFFFFD880  }
0xb1: {  	[hbm4b:s9+s12] =	stream.strided.scatter [tilespmem:s19], [sflag:$0x1], $0x2780, s13, s12, $0x38;
	[tilespmem:$0x18A00] =	vst v63  }
0xb2: {  	s22 =	sadd.s32 $0x1, s22;
	_ =	swait.ge [sflag:s14], $0x2780  }
0xb3: {  	p0 =	sne.s32 s22, s11;
	[sflag:s14] =	ssyncset.done $0x0  }
.Ltmp3:
0xb4: {  	[sflag:s14] =	ssyncadd.s32 $0xFFFFD880;
	(pc) =	sbr.rel @p0 .LBB2_1-.Ltmp3, $4  }
0xb5: {  	[hbm4b:s10+s12] =	stream.strided.scatter [tilespmem:s21], [sflag:$0x1], $0x2780, s13, s12, $0x38;
	[tilespmem:$0x18A00] =	vst v63  }
0xb6: {  	_ =	swait.ge [sflag:s14], $0x2780  }
0xb7: {  	[sflag:s14] =	ssyncset.done $0x0  }
0xb8: {  	[sflag:s14] =	ssyncadd.s32 $0xFFFFD880  }
0xb9: {  	_ =	sfence.sel $0x180000  }
0xba: {  	[bflag:$0x0] =	sbarrier.arrive $0xFFFF  }
0xbb: {  	p0 =	sne.s32 s2, $0x0;
	_ =	strace $0x90000047  }
0xbc: {  	s0 =	sadd.s32 @!p0 $0x100000, s0;
	[bflag:$0x2] =	sbarrier.arrive $0xFFFF  }
0xbd: {  	[sflag:s0] =	ssyncadd.tile.s32 @!p0 $0x1;
	_ =	shalt  }
.Lfunc_end2:
_tile_overlayer_lowered:
.L_overlay_start_2:
0xbe: {  	(tag) =	ssettag $0x2  }
0xbf: {  	s0 =	rddreg [dreg:$0x0];
	s2 =	stileid.u32  }
0xc0: {  	s1 =	rddreg [dreg:$0x1];
	p0 =	sne.s32 s2, $0x0  }
0xc1: {  	s3 =	rddreg [dreg:$0x2];
	[bflag:$0x3] =	sbarrier.arrive $0xFFFF;
	s2 =	simm.s32 @!p0 $0x1C01  }
0xc2: {  	[timem:s3], [sflag:s2] =	dma.local @!p0 [hbm:s0], s1  }
0xc3: {  	s0 =	simm.s32 @!p0 $0x1  }
0xc4: {  	_ =	swait.ge @!p0 [sflag:s0], s1  }
0xc5: {  	s1 =	ssub.s32 @!p0 $0x0, s1;
	[sflag:s0] =	ssyncset.done @!p0 $0x0  }
0xc6: {  	[sflag:s0] =	ssyncadd.s32 @!p0 s1  }
0xc7: {  	[bflag:$0x3] =	sbarrier.arrive $0xFFFF  }
0xc8: {  	_ =	shalt  }

</sc_bundles>
